<compile_context>
chip_gen: v7x
topology: tpu7x:2x2x1
jax: 0.10.2.dev20260603
libtpu: 0.0.44.dev20260713+nightly
codegen_flags: <defaults>
</compile_context>

<pallas_src>
import functools

import jax
import jax.numpy as jnp
from jax import lax
from jax.experimental import pallas as pl
from jax.experimental.pallas import tpu as pltpu
from jax.experimental.pallas import tpu_sc as plsc

D = 128
CH = 128
ROWBLK = 1280



def _mm2_body(x_ref, wa_ref, wb_ref, oa_ref, ob_ref):
    x = x_ref[...]
    oa_ref[...] = jnp.dot(x, wa_ref[...], preferred_element_type=jnp.float32)
    ob_ref[...] = jnp.dot(x, wb_ref[...], preferred_element_type=jnp.float32)


def _tc_dual_matmul(x, wa, wb):
    n = x.shape[0]
    grid = (pl.cdiv(n, ROWBLK),)
    return pl.pallas_call(
        _mm2_body,
        grid=grid,
        in_specs=[
            pl.BlockSpec((ROWBLK, D), lambda i: (i, 0)),
            pl.BlockSpec((D, D), lambda i: (0, 0)),
            pl.BlockSpec((D, D), lambda i: (0, 0)),
        ],
        out_specs=[
            pl.BlockSpec((ROWBLK, D), lambda i: (i, 0)),
            pl.BlockSpec((ROWBLK, D), lambda i: (i, 0)),
        ],
        out_shape=[
            jax.ShapeDtypeStruct((n, D), jnp.float32),
            jax.ShapeDtypeStruct((n, D), jnp.float32),
        ],
    )(x, wa, wb)


def _mid_body(s1_ref, agg_ref, deg_ref, b1_ref, ws2_ref, wn2_ref,
              s2_ref, y2_ref):
    rdeg = 1.0 / jnp.maximum(deg_ref[...], 1.0)
    h = jnp.maximum(s1_ref[...] + agg_ref[...] * rdeg + b1_ref[...], 0.0)
    s2_ref[...] = jnp.dot(h, ws2_ref[...], preferred_element_type=jnp.float32)
    y2_ref[...] = jnp.dot(h, wn2_ref[...], preferred_element_type=jnp.float32)


def _tc_mid(s1, agg, deg2, b1, ws2, wn2):
    n = s1.shape[0]
    grid = (pl.cdiv(n, ROWBLK),)
    return pl.pallas_call(
        _mid_body,
        grid=grid,
        in_specs=[
            pl.BlockSpec((ROWBLK, D), lambda i: (i, 0)),
            pl.BlockSpec((ROWBLK, D), lambda i: (i, 0)),
            pl.BlockSpec((ROWBLK, 1), lambda i: (i, 0)),
            pl.BlockSpec((1, D), lambda i: (0, 0)),
            pl.BlockSpec((D, D), lambda i: (0, 0)),
            pl.BlockSpec((D, D), lambda i: (0, 0)),
        ],
        out_specs=[
            pl.BlockSpec((ROWBLK, D), lambda i: (i, 0)),
            pl.BlockSpec((ROWBLK, D), lambda i: (i, 0)),
        ],
        out_shape=[
            jax.ShapeDtypeStruct((n, D), jnp.float32),
            jax.ShapeDtypeStruct((n, D), jnp.float32),
        ],
    )(s1, agg, deg2, b1, ws2, wn2)


def _fin_body(s2_ref, agg_ref, deg_ref, b2_ref, out_ref):
    rdeg = 1.0 / jnp.maximum(deg_ref[...], 1.0)
    out_ref[...] = s2_ref[...] + agg_ref[...] * rdeg + b2_ref[...]


def _tc_fin(s2, agg, deg2, b2):
    n = s2.shape[0]
    grid = (pl.cdiv(n, ROWBLK),)
    return pl.pallas_call(
        _fin_body,
        grid=grid,
        in_specs=[
            pl.BlockSpec((ROWBLK, D), lambda i: (i, 0)),
            pl.BlockSpec((ROWBLK, D), lambda i: (i, 0)),
            pl.BlockSpec((ROWBLK, 1), lambda i: (i, 0)),
            pl.BlockSpec((1, D), lambda i: (0, 0)),
        ],
        out_specs=pl.BlockSpec((ROWBLK, D), lambda i: (i, 0)),
        out_shape=jax.ShapeDtypeStruct((n, D), jnp.float32),
    )(s2, agg, deg2, b2)




def _make_sc_agg_owner(npad, ep, with_deg, nc, ns):
    nw = nc * ns
    own = npad // nw
    blk = 4096
    nblk = ep // blk
    mesh = plsc.VectorSubcoreMesh(
        core_axis_name="c", subcore_axis_name="s", num_cores=nc, num_subcores=ns
    )

    out_type = [jax.ShapeDtypeStruct((npad, D), jnp.float32)]
    scratch = [
        pltpu.VMEM((blk,), jnp.int32),
        pltpu.VMEM((blk,), jnp.int32),
        pltpu.VMEM((blk + CH,), jnp.int32),
        pltpu.VMEM((blk + CH + 16,), jnp.int32),
        pltpu.VMEM((CH, D), jnp.float32),
        pltpu.VMEM((own, D), jnp.float32),
        pltpu.SemaphoreType.DMA,
    ]
    if with_deg:
        out_type.append(jax.ShapeDtypeStruct((npad,), jnp.float32))
        scratch.append(pltpu.VMEM((own + 16,), jnp.float32))

    def body(y_hbm, src_hbm, dst_hbm, agg_out, *rest):
        if with_deg:
            deg_out, srcb, dstb, csrc, cdst, rows_g, acc_l, sem, deg_l = rest
        else:
            srcb, dstb, csrc, cdst, rows_g, acc_l, sem = rest
        cid = lax.axis_index("c")
        sid = lax.axis_index("s")
        wid = cid * ns + sid
        lo = wid * own
        hi = lo + own

        zero16 = jnp.zeros((16,), jnp.float32)

        def zacc(r, _):
            for v in range(D // 16):
                acc_l[r, pl.ds(v * 16, 16)] = zero16
            return 0

        lax.fori_loop(0, own, zacc, 0)
        if with_deg:
            def zdeg(r, _):
                deg_l[pl.ds(r * 16, 16)] = zero16
                return 0
            lax.fori_loop(0, own // 16 + 1, zdeg, 0)

        lane = lax.iota(jnp.int32, 16)
        one0 = jnp.where(lane == 0, 1.0, 0.0).astype(jnp.float32)

        def block(b, _):
            pltpu.sync_copy(src_hbm.at[pl.ds(b * blk, blk)], srcb)
            pltpu.sync_copy(dst_hbm.at[pl.ds(b * blk, blk)], dstb)

            def scan(v, k):
                d16 = dstb[pl.ds(v * 16, 16)]
                s16 = srcb[pl.ds(v * 16, 16)]
                m = (d16 >= lo) & (d16 < hi)
                plsc.store_compressed(cdst.at[pl.ds(k, 16)], d16, mask=m)
                plsc.store_compressed(csrc.at[pl.ds(k, 16)], s16, mask=m)
                return k + plsc.all_reduce_population_count(m)[0]

            k = lax.fori_loop(0, blk // 16, scan, jnp.int32(0))

            for v in range(CH // 16):
                csrc[pl.ds(k + v * 16, 16)] = lane + jnp.int32(16 * v)

            def group(g, _):
                rem = jnp.minimum(k - g * CH, CH)
                pltpu.async_copy(
                    y_hbm.at[csrc.at[pl.ds(g * CH, CH)]], rows_g, sem
                ).wait()

                def edge(e, _):
                    dl = cdst[pl.ds(g * CH + e, 16)][0] - lo
                    for v in range(D // 16):
                        sl = pl.ds(v * 16, 16)
                        acc_l[dl, sl] = acc_l[dl, sl] + rows_g[e, sl]
                    if with_deg:
                        dw = pl.ds(dl, 16)
                        deg_l[dw] = deg_l[dw] + one0
                    return 0

                lax.fori_loop(0, rem, edge, 0)
                return 0

            lax.fori_loop(0, (k + CH - 1) // CH, group, 0)
            return 0

        lax.fori_loop(0, nblk, block, 0)

        pltpu.sync_copy(acc_l, agg_out.at[pl.ds(lo, own)])
        if with_deg:
            pltpu.sync_copy(deg_l.at[pl.ds(0, own)], deg_out.at[pl.ds(lo, own)])

    return pl.kernel(
        body,
        out_type=out_type,
        mesh=mesh,
        scratch_types=scratch,
        compiler_params=pltpu.CompilerParams(needs_layout_passes=False),
    )

def _make_sc_agg(npad, nchunk, with_deg, nc, ns):
    nw = nc * ns
    rows_per_tile = npad // ns
    mesh = plsc.VectorSubcoreMesh(
        core_axis_name="c", subcore_axis_name="s", num_cores=nc, num_subcores=ns
    )

    out_type = [jax.ShapeDtypeStruct((2, npad, D), jnp.float32)]
    scratch = [
        pltpu.VMEM((nchunk, CH), jnp.int32),
        pltpu.VMEM((nchunk, CH), jnp.int32),
        pltpu.VMEM((CH, D), jnp.float32),
        pltpu.VMEM_SHARED((npad, D), jnp.float32),
        pltpu.SemaphoreType.DMA,
    ]
    if with_deg:
        out_type.append(jax.ShapeDtypeStruct((nw, npad), jnp.float32))
        scratch.append(pltpu.VMEM((npad,), jnp.float32))

    def body(y_hbm, srcw_hbm, dstw_hbm, agg_out, *rest):
        if with_deg:
            deg_out, src_all, dst_all, rows_a, acc_sh, sem_a, deg_l = rest
        else:
            src_all, dst_all, rows_a, acc_sh, sem_a = rest
        cid = lax.axis_index("c")
        sid = lax.axis_index("s")
        wid = cid * ns + sid

        zero16 = jnp.zeros((16,), jnp.float32)

        def zrow(i, _):
            for v in range(D // 16):
                rows_a[i, pl.ds(v * 16, 16)] = zero16
            return 0

        lax.fori_loop(0, CH, zrow, 0)
        for k in range(rows_per_tile // CH):
            pltpu.sync_copy(rows_a, acc_sh.at[pl.ds(sid * rows_per_tile + k * CH, CH)])

        if with_deg:
            def zdeg(i, _):
                deg_l[pl.ds(i * 16, 16)] = zero16
                return 0
            lax.fori_loop(0, npad // 16, zdeg, 0)

        plsc.subcore_barrier()

        ones16 = jnp.ones((16,), jnp.float32)

        pltpu.sync_copy(srcw_hbm.at[wid], src_all)
        pltpu.sync_copy(dstw_hbm.at[wid], dst_all)

        def chunk_one(c, _):
            pltpu.async_copy(y_hbm.at[src_all.at[c]], rows_a, sem_a).wait()
            pltpu.sync_copy(rows_a, acc_sh.at[dst_all.at[c]], add=True)
            if with_deg:
                for v in range(CH // 16):
                    idx = dst_all[c, pl.ds(v * 16, 16)]
                    plsc.addupdate_scatter(deg_l, [idx], ones16)
            return 0

        lax.fori_loop(0, nchunk, chunk_one, 0)

        plsc.subcore_barrier()
        pltpu.sync_copy(
            acc_sh.at[pl.ds(sid * rows_per_tile, rows_per_tile)],
            agg_out.at[cid, pl.ds(sid * rows_per_tile, rows_per_tile)],
        )
        if with_deg:
            pltpu.sync_copy(deg_l, deg_out.at[wid])

    return pl.kernel(
        body,
        out_type=out_type,
        mesh=mesh,
        scratch_types=scratch,
        compiler_params=pltpu.CompilerParams(needs_layout_passes=False),
    )



def kernel(x, edge_index, W_self1, W_neigh1, b1, W_self2, W_neigh2, b2):
    n = x.shape[0]
    e = edge_index.shape[1]
    try:
        info = plsc.get_sparse_core_info()
        nc, ns = info.num_cores, info.num_subcores
    except ValueError:
        nc, ns = 2, 16
    nw = nc * ns

    npad = ((n + (ns * CH) - 1) // (ns * CH)) * (ns * CH)
    blk = 4096
    ep = ((e + blk - 1) // blk) * blk

    src = edge_index[0]
    dst = edge_index[1]
    pad = ep - e
    if pad:
        parange = jnp.arange(pad, dtype=jnp.int32)
        src = jnp.concatenate([src, parange % n])
        dst = jnp.concatenate([dst, n + parange % (npad - n)])

    b1r = b1.reshape(1, D)
    b2r = b2.reshape(1, D)

    sc_agg_deg = _make_sc_agg_owner(npad, ep, True, nc, ns)
    sc_agg = _make_sc_agg_owner(npad, ep, False, nc, ns)

    s1, y1 = _tc_dual_matmul(x, W_self1, W_neigh1)
    agg1, deg = sc_agg_deg(y1, src, dst)
    deg2 = deg.reshape(npad, 1)
    s2, y2 = _tc_mid(s1, agg1, deg2, b1r, W_self2, W_neigh2)
    (agg2,) = sc_agg(y2, src, dst)
    return _tc_fin(s2, agg2, deg2, b2r)

# --- scband reference (transcript-rebuilt; emitter-appended) ---
"""Pipeline reference for scband-sage-28587302323096 (READ-ONLY COPY).

The authoritative reference and input builder live on the scoring server;
editing this copy changes nothing except your own understanding.
"""

import jax, jax.numpy as jnp
import numpy as np

N = 10000
E = 320000
D = 128
H = 128


def setup_inputs(seed: int = 0) -> dict:
    key = jax.random.key(seed)
    ks = jax.random.split(key, 8)
    x = jax.random.normal(ks[0], (N, D), dtype=jnp.float32)
    edge_index = jax.random.randint(ks[1], (2, E), 0, N, dtype=jnp.int32)
    s1 = 1.0 / np.sqrt(D)
    s2 = 1.0 / np.sqrt(H)
    W_self1 = jax.random.normal(ks[2], (D, H), dtype=jnp.float32) * s1
    W_neigh1 = jax.random.normal(ks[3], (D, H), dtype=jnp.float32) * s1
    b1 = jnp.zeros((H,), dtype=jnp.float32)
    W_self2 = jax.random.normal(ks[4], (H, H), dtype=jnp.float32) * s2
    W_neigh2 = jax.random.normal(ks[5], (H, H), dtype=jnp.float32) * s2
    b2 = jnp.zeros((H,), dtype=jnp.float32)
    return {"x": x, "edge_index": edge_index, "W_self1": W_self1, "W_neigh1": W_neigh1, "b1": b1, "W_self2": W_self2, "W_neigh2": W_neigh2, "b2": b2}


def _sage_layer(h, src, dst, W_self, W_neigh, b):
    # DGL SAGEConv with 'mean' aggregation:
    # rst = fc_self(h_self) + fc_neigh(mean_{u in N(v)} h_u) + bias
    msg = h[src]                                      # gather (E, d)
    agg = jax.ops.segment_sum(msg, dst, num_segments=N)   # scatter-add
    deg = jax.ops.segment_sum(jnp.ones((dst.shape[0],), dtype=h.dtype), dst, num_segments=N)
    h_neigh = agg / jnp.maximum(deg, 1.0)[:, None]
    return h @ W_self + h_neigh @ W_neigh + b


def reference(x, edge_index, W_self1, W_neigh1, b1, W_self2, W_neigh2, b2):
    src = edge_index[0]
    dst = edge_index[1]
    h = _sage_layer(x, src, dst, W_self1, W_neigh1, b1)
    h = jax.nn.relu(h)  # dropout is identity at inference
    h = _sage_layer(h, src, dst, W_self2, W_neigh2, b2)
    return h

if __name__ == "__main__":
    import jax
    _d = setup_inputs()
    print(jax.jit(kernel)(*tuple(_d.values())))

</pallas_src>

<mosaic_0001>
#map = affine_map<(d0, d1) -> (0, 0)>
#map1 = affine_map<(d0, d1) -> (0)>
module attributes {stable_mosaic.version = 14 : i64} {
  func.func @body(%arg0: i32, %arg1: i32, %arg2: memref<10000x128xf32, #tpu.memory_space<hbm>>, %arg3: memref<323584xi32, #tpu.memory_space<hbm>>, %arg4: memref<323584xi32, #tpu.memory_space<hbm>>, %arg5: memref<10240x128xf32, #tpu.memory_space<hbm>>, %arg6: memref<10240xf32, #tpu.memory_space<hbm>>, %arg7: memref<4096xi32, #tpu.memory_space<vmem>>, %arg8: memref<4096xi32, #tpu.memory_space<vmem>>, %arg9: memref<4224xi32, #tpu.memory_space<vmem>>, %arg10: memref<4240xi32, #tpu.memory_space<vmem>>, %arg11: memref<128x128xf32, #tpu.memory_space<vmem>>, %arg12: memref<320x128xf32, #tpu.memory_space<vmem>>, %arg13: memref<!tpu.dma_semaphore, #tpu.memory_space<semaphore_mem>>, %arg14: memref<336xf32, #tpu.memory_space<vmem>>) attributes {dimension_semantics = [#tpu.dimension_semantics<core_parallel>, #tpu.dimension_semantics<subcore_parallel>], iteration_bounds = array<i64: 2, 16>, scalar_prefetch = 0 : i64, scratch_operands = 8 : i64, tpu.core_type = #tpu.core_type<sc_vector_subcore>, window_params = [{transform_indices = #map}, {transform_indices = #map1}, {transform_indices = #map1}, {transform_indices = #map}, {transform_indices = #map1}]} {
    %mul3A = arith.constant 16 : i32
    %mul3A_0 = arith.muli %arg0, %mul3A : i32
    %add3A = arith.addi %mul3A_0, %arg1 : i32
    %mul3A_1 = arith.constant 320 : i32
    %mul3A_2 = arith.muli %add3A, %mul3A_1 : i32
    %add3A_3 = arith.constant 320 : i32
    %add3A_4 = arith.addi %mul3A_2, %add3A_3 : i32
    %broadcast_in_dim3A = arith.constant 0.000000e+00 : f32
    %broadcast_in_dim3A_5 = vector.broadcast %broadcast_in_dim3A : f32 to vector<16xf32>
    %scan3A = arith.constant 0 : i32
    %scan3A_6 = arith.constant 0 : i32
    %scan3A_7 = arith.constant 320 : i32
    %scan3A_8 = arith.addi %scan3A_6, %scan3A_7 : i32
    %scan3A_9 = arith.constant 1 : i32
    %scan3A_10 = scf.for %scan3A_31 = %scan3A_6 to %scan3A_8 step %scan3A_9 iter_args(%scan3A_32 = %scan3A) -> (i32)  : i32 {
      %swap3A = arith.index_cast %scan3A_31 : i32 to index
      %swap3A_33 = arith.constant 0 : index
      %swap3A_34 = tpu.vector_load %arg12[%swap3A, %swap3A_33] {strides = array<i32>} : memref<320x128xf32, #tpu.memory_space<vmem>>, vector<16xf32>,
      tpu.vector_store %arg12[%swap3A, %swap3A_33], %broadcast_in_dim3A_5 {strides = array<i32>} : memref<320x128xf32, #tpu.memory_space<vmem>>, vector<16xf32>,
      %swap3A_35 = arith.index_cast %scan3A_31 : i32 to index
      %swap3A_36 = arith.constant 16 : index
      %swap3A_37 = tpu.vector_load %arg12[%swap3A_35, %swap3A_36] {strides = array<i32>} : memref<320x128xf32, #tpu.memory_space<vmem>>, vector<16xf32>,
      tpu.vector_store %arg12[%swap3A_35, %swap3A_36], %broadcast_in_dim3A_5 {strides = array<i32>} : memref<320x128xf32, #tpu.memory_space<vmem>>, vector<16xf32>,
      %swap3A_38 = arith.index_cast %scan3A_31 : i32 to index
      %swap3A_39 = arith.constant 32 : index
      %swap3A_40 = tpu.vector_load %arg12[%swap3A_38, %swap3A_39] {strides = array<i32>} : memref<320x128xf32, #tpu.memory_space<vmem>>, vector<16xf32>,
      tpu.vector_store %arg12[%swap3A_38, %swap3A_39], %broadcast_in_dim3A_5 {strides = array<i32>} : memref<320x128xf32, #tpu.memory_space<vmem>>, vector<16xf32>,
      %swap3A_41 = arith.index_cast %scan3A_31 : i32 to index
      %swap3A_42 = arith.constant 48 : index
      %swap3A_43 = tpu.vector_load %arg12[%swap3A_41, %swap3A_42] {strides = array<i32>} : memref<320x128xf32, #tpu.memory_space<vmem>>, vector<16xf32>,
      tpu.vector_store %arg12[%swap3A_41, %swap3A_42], %broadcast_in_dim3A_5 {strides = array<i32>} : memref<320x128xf32, #tpu.memory_space<vmem>>, vector<16xf32>,
      %swap3A_44 = arith.index_cast %scan3A_31 : i32 to index
      %swap3A_45 = arith.constant 64 : index
      %swap3A_46 = tpu.vector_load %arg12[%swap3A_44, %swap3A_45] {strides = array<i32>} : memref<320x128xf32, #tpu.memory_space<vmem>>, vector<16xf32>,
      tpu.vector_store %arg12[%swap3A_44, %swap3A_45], %broadcast_in_dim3A_5 {strides = array<i32>} : memref<320x128xf32, #tpu.memory_space<vmem>>, vector<16xf32>,
      %swap3A_47 = arith.index_cast %scan3A_31 : i32 to index
      %swap3A_48 = arith.constant 80 : index
      %swap3A_49 = tpu.vector_load %arg12[%swap3A_47, %swap3A_48] {strides = array<i32>} : memref<320x128xf32, #tpu.memory_space<vmem>>, vector<16xf32>,
      tpu.vector_store %arg12[%swap3A_47, %swap3A_48], %broadcast_in_dim3A_5 {strides = array<i32>} : memref<320x128xf32, #tpu.memory_space<vmem>>, vector<16xf32>,
      %swap3A_50 = arith.index_cast %scan3A_31 : i32 to index
      %swap3A_51 = arith.constant 96 : index
      %swap3A_52 = tpu.vector_load %arg12[%swap3A_50, %swap3A_51] {strides = array<i32>} : memref<320x128xf32, #tpu.memory_space<vmem>>, vector<16xf32>,
      tpu.vector_store %arg12[%swap3A_50, %swap3A_51], %broadcast_in_dim3A_5 {strides = array<i32>} : memref<320x128xf32, #tpu.memory_space<vmem>>, vector<16xf32>,
      %swap3A_53 = arith.index_cast %scan3A_31 : i32 to index
      %swap3A_54 = arith.constant 112 : index
      %swap3A_55 = tpu.vector_load %arg12[%swap3A_53, %swap3A_54] {strides = array<i32>} : memref<320x128xf32, #tpu.memory_space<vmem>>, vector<16xf32>,
      tpu.vector_store %arg12[%swap3A_53, %swap3A_54], %broadcast_in_dim3A_5 {strides = array<i32>} : memref<320x128xf32, #tpu.memory_space<vmem>>, vector<16xf32>,
      %scan3A_56 = arith.constant 0 : i32
      scf.yield %scan3A_56 : i32
    }
    %scan3A_11 = arith.constant 320 : i32
    %scan3A_12 = arith.constant 0 : i32
    %scan3A_13 = arith.constant 0 : i32
    %scan3A_14 = arith.constant 21 : i32
    %scan3A_15 = arith.addi %scan3A_13, %scan3A_14 : i32
    %scan3A_16 = arith.constant 1 : i32
    %scan3A_17 = scf.for %scan3A_31 = %scan3A_13 to %scan3A_15 step %scan3A_16 iter_args(%scan3A_32 = %scan3A_12) -> (i32)  : i32 {
      %mul3A_33 = arith.constant 16 : i32
      %mul3A_34 = arith.muli %scan3A_31, %mul3A_33 : i32
      %swap3A = arith.index_cast %mul3A_34 : i32 to index
      %swap3A_35 = tpu.vector_load %arg14[%swap3A] {strides = array<i32>} : memref<336xf32, #tpu.memory_space<vmem>>, vector<16xf32>,
      tpu.vector_store %arg14[%swap3A], %broadcast_in_dim3A_5 {strides = array<i32>} : memref<336xf32, #tpu.memory_space<vmem>>, vector<16xf32>,
      %scan3A_36 = arith.constant 0 : i32
      scf.yield %scan3A_36 : i32
    }
    %scan3A_18 = arith.constant 21 : i32
    %iota3A = tpu.iota {dimensions = array<i32: 0>} : vector<16xi32>
    %eq3A = arith.constant 0 : i32
    %eq3A_19 = vector.broadcast %eq3A : i32 to vector<16xi32>
    %eq3A_20 = arith.cmpi eq, %iota3A, %eq3A_19 : vector<16xi32>
    %jit3A = arith.constant 1.000000e+00 : f32
    %jit3A_21 = arith.constant 0.000000e+00 : f32
    %broadcast_in_dim3A_22 = vector.broadcast %jit3A : f32 to vector<16xf32>
    %broadcast_in_dim3A_23 = vector.broadcast %jit3A_21 : f32 to vector<16xf32>
    %select_n3A = arith.select %eq3A_20, %broadcast_in_dim3A_22, %broadcast_in_dim3A_23 : vector<16xi1>, vector<16xf32>
    %scan3A_24 = arith.constant 0 : i32
    %scan3A_25 = arith.constant 0 : i32
    %scan3A_26 = arith.constant 79 : i32
    %scan3A_27 = arith.addi %scan3A_25, %scan3A_26 : i32
    %scan3A_28 = arith.constant 1 : i32
    %scan3A_29 = scf.for %scan3A_31 = %scan3A_25 to %scan3A_27 step %scan3A_28 iter_args(%scan3A_32 = %scan3A_24) -> (i32)  : i32 {
      %mul3A_33 = arith.constant 4096 : i32
      %mul3A_34 = arith.muli %scan3A_31, %mul3A_33 : i32
      "tpu.region"() ({
        %run_scoped3A = tpu.sem_alloc : memref<!tpu.dma_semaphore, #tpu.memory_space<semaphore_mem>>
        %dma_start3A = tpu.memref_slice %arg3[%mul3A_34] : memref<323584xi32, #tpu.memory_space<hbm>> -> memref<4096xi32, #tpu.memory_space<hbm>>
        %dma_start3A_133 = tpu.memref_slice %arg3[%mul3A_34] : memref<323584xi32, #tpu.memory_space<hbm>> -> memref<4096xi32, #tpu.memory_space<hbm>>
        tpu.enqueue_dma source(%dma_start3A_133 : memref<4096xi32, #tpu.memory_space<hbm>>) target(%arg7 : memref<4096xi32, #tpu.memory_space<vmem>>) target_semaphore(%run_scoped3A : memref<!tpu.dma_semaphore, #tpu.memory_space<semaphore_mem>>)
        %dma_wait3A = tpu.memref_slice %arg3[%mul3A_34] : memref<323584xi32, #tpu.memory_space<hbm>> -> memref<4096xi32, #tpu.memory_space<hbm>>
        %dma_wait3A_134 = tpu.memref_slice %arg3[%mul3A_34] : memref<323584xi32, #tpu.memory_space<hbm>> -> memref<4096xi32, #tpu.memory_space<hbm>>
        tpu.wait_dma2 semaphore(%run_scoped3A : memref<!tpu.dma_semaphore, #tpu.memory_space<semaphore_mem>>) src(%dma_wait3A_134 : memref<4096xi32, #tpu.memory_space<hbm>>) dst(%arg7 : memref<4096xi32, #tpu.memory_space<vmem>>)
        tpu.yield
      }) : () -> ()
      %mul3A_35 = arith.constant 4096 : i32
      %mul3A_36 = arith.muli %scan3A_31, %mul3A_35 : i32
      "tpu.region"() ({
        %run_scoped3A = tpu.sem_alloc : memref<!tpu.dma_semaphore, #tpu.memory_space<semaphore_mem>>
        %dma_start3A = tpu.memref_slice %arg4[%mul3A_36] : memref<323584xi32, #tpu.memory_space<hbm>> -> memref<4096xi32, #tpu.memory_space<hbm>>
        %dma_start3A_133 = tpu.memref_slice %arg4[%mul3A_36] : memref<323584xi32, #tpu.memory_space<hbm>> -> memref<4096xi32, #tpu.memory_space<hbm>>
        tpu.enqueue_dma source(%dma_start3A_133 : memref<4096xi32, #tpu.memory_space<hbm>>) target(%arg8 : memref<4096xi32, #tpu.memory_space<vmem>>) target_semaphore(%run_scoped3A : memref<!tpu.dma_semaphore, #tpu.memory_space<semaphore_mem>>)
        %dma_wait3A = tpu.memref_slice %arg4[%mul3A_36] : memref<323584xi32, #tpu.memory_space<hbm>> -> memref<4096xi32, #tpu.memory_space<hbm>>
        %dma_wait3A_134 = tpu.memref_slice %arg4[%mul3A_36] : memref<323584xi32, #tpu.memory_space<hbm>> -> memref<4096xi32, #tpu.memory_space<hbm>>
        tpu.wait_dma2 semaphore(%run_scoped3A : memref<!tpu.dma_semaphore, #tpu.memory_space<semaphore_mem>>) src(%dma_wait3A_134 : memref<4096xi32, #tpu.memory_space<hbm>>) dst(%arg8 : memref<4096xi32, #tpu.memory_space<vmem>>)
        tpu.yield
      }) : () -> ()
      %scan3A_37 = arith.constant 0 : i32
      %scan3A_38 = arith.constant 0 : i32
      %scan3A_39 = arith.constant 256 : i32
      %scan3A_40 = arith.addi %scan3A_38, %scan3A_39 : i32
      %scan3A_41 = arith.constant 1 : i32
      %scan3A_42 = scf.for %scan3A_133 = %scan3A_38 to %scan3A_40 step %scan3A_41 iter_args(%scan3A_134 = %scan3A_37) -> (i32)  : i32 {
        %mul3A_135 = arith.constant 16 : i32
        %mul3A_136 = arith.muli %scan3A_133, %mul3A_135 : i32
        %get3A = arith.index_cast %mul3A_136 : i32 to index
        %get3A_137 = tpu.vector_load %arg8[%get3A] {strides = array<i32>} : memref<4096xi32, #tpu.memory_space<vmem>>, vector<16xi32>,
        %mul3A_138 = arith.constant 16 : i32
        %mul3A_139 = arith.muli %scan3A_133, %mul3A_138 : i32
        %get3A_140 = arith.index_cast %mul3A_139 : i32 to index
        %get3A_141 = tpu.vector_load %arg7[%get3A_140] {strides = array<i32>} : memref<4096xi32, #tpu.memory_space<vmem>>, vector<16xi32>,
        %ge3A = vector.broadcast %mul3A_2 : i32 to vector<16xi32>
        %ge3A_142 = arith.cmpi sge, %get3A_137, %ge3A : vector<16xi32>
        %lt3A = vector.broadcast %add3A_4 : i32 to vector<16xi32>
        %lt3A_143 = arith.cmpi slt, %get3A_137, %lt3A : vector<16xi32>
        %and3A_144 = arith.andi %ge3A_142, %lt3A_143 : vector<16xi1>
        %swap3A_145 = arith.index_cast %scan3A_134 : i32 to index
        %swap3A_146 = tpu.vector_load %arg10[%swap3A_145] masked %and3A_144 {strides = array<i32>} : memref<4240xi32, #tpu.memory_space<vmem>>, vector<16xi32>, vector<16xi1>
        tpu.vector_store %arg10[%swap3A_145], %get3A_137 masked %and3A_144 {strides = array<i32>} : memref<4240xi32, #tpu.memory_space<vmem>>, vector<16xi32>, vector<16xi1>
        %swap3A_147 = arith.index_cast %scan3A_134 : i32 to index
        %swap3A_148 = tpu.vector_load %arg9[%swap3A_147] masked %and3A_144 {strides = array<i32>} : memref<4224xi32, #tpu.memory_space<vmem>>, vector<16xi32>, vector<16xi1>
        tpu.vector_store %arg9[%swap3A_147], %get3A_141 masked %and3A_144 {strides = array<i32>} : memref<4224xi32, #tpu.memory_space<vmem>>, vector<16xi32>, vector<16xi1>
        %all_reduce_population_count3A = tpu.all_reduce %and3A_144 {dim = 0 : i64, kind = #tpu.reduction_kind<sum>} : vector<16xi1> -> vector<16xi32>
        %slice3A = vector.extract_strided_slice %all_reduce_population_count3A {offsets = [0], sizes = [1], strides = [1]} : vector<16xi32> to vector<1xi32>
        %squeeze3A = vector.extract %slice3A[0] : i32 from vector<1xi32>
        %add3A_149 = arith.addi %scan3A_134, %squeeze3A : i32
        scf.yield %add3A_149 : i32
      }
      %scan3A_43 = arith.constant 256 : i32
      %add3A_44 = arith.constant 0 : i32
      %add3A_45 = vector.broadcast %add3A_44 : i32 to vector<16xi32>
      %add3A_46 = arith.addi %iota3A, %add3A_45 : vector<16xi32>
      %add3A_47 = arith.constant 0 : i32
      %add3A_48 = arith.addi %scan3A_42, %add3A_47 : i32
      %swap3A = arith.index_cast %add3A_48 : i32 to index
      %swap3A_49 = tpu.vector_load %arg9[%swap3A] {strides = array<i32>} : memref<4224xi32, #tpu.memory_space<vmem>>, vector<16xi32>,
      tpu.vector_store %arg9[%swap3A], %add3A_46 {strides = array<i32>} : memref<4224xi32, #tpu.memory_space<vmem>>, vector<16xi32>,
      %add3A_50 = arith.constant 16 : i32
      %add3A_51 = vector.broadcast %add3A_50 : i32 to vector<16xi32>
      %add3A_52 = arith.addi %iota3A, %add3A_51 : vector<16xi32>
      %add3A_53 = arith.constant 16 : i32
      %add3A_54 = arith.addi %scan3A_42, %add3A_53 : i32
      %swap3A_55 = arith.index_cast %add3A_54 : i32 to index
      %swap3A_56 = tpu.vector_load %arg9[%swap3A_55] {strides = array<i32>} : memref<4224xi32, #tpu.memory_space<vmem>>, vector<16xi32>,
      tpu.vector_store %arg9[%swap3A_55], %add3A_52 {strides = array<i32>} : memref<4224xi32, #tpu.memory_space<vmem>>, vector<16xi32>,
      %add3A_57 = arith.constant 32 : i32
      %add3A_58 = vector.broadcast %add3A_57 : i32 to vector<16xi32>
      %add3A_59 = arith.addi %iota3A, %add3A_58 : vector<16xi32>
      %add3A_60 = arith.constant 32 : i32
      %add3A_61 = arith.addi %scan3A_42, %add3A_60 : i32
      %swap3A_62 = arith.index_cast %add3A_61 : i32 to index
      %swap3A_63 = tpu.vector_load %arg9[%swap3A_62] {strides = array<i32>} : memref<4224xi32, #tpu.memory_space<vmem>>, vector<16xi32>,
      tpu.vector_store %arg9[%swap3A_62], %add3A_59 {strides = array<i32>} : memref<4224xi32, #tpu.memory_space<vmem>>, vector<16xi32>,
      %add3A_64 = arith.constant 48 : i32
      %add3A_65 = vector.broadcast %add3A_64 : i32 to vector<16xi32>
      %add3A_66 = arith.addi %iota3A, %add3A_65 : vector<16xi32>
      %add3A_67 = arith.constant 48 : i32
      %add3A_68 = arith.addi %scan3A_42, %add3A_67 : i32
      %swap3A_69 = arith.index_cast %add3A_68 : i32 to index
      %swap3A_70 = tpu.vector_load %arg9[%swap3A_69] {strides = array<i32>} : memref<4224xi32, #tpu.memory_space<vmem>>, vector<16xi32>,
      tpu.vector_store %arg9[%swap3A_69], %add3A_66 {strides = array<i32>} : memref<4224xi32, #tpu.memory_space<vmem>>, vector<16xi32>,
      %add3A_71 = arith.constant 64 : i32
      %add3A_72 = vector.broadcast %add3A_71 : i32 to vector<16xi32>
      %add3A_73 = arith.addi %iota3A, %add3A_72 : vector<16xi32>
      %add3A_74 = arith.constant 64 : i32
      %add3A_75 = arith.addi %scan3A_42, %add3A_74 : i32
      %swap3A_76 = arith.index_cast %add3A_75 : i32 to index
      %swap3A_77 = tpu.vector_load %arg9[%swap3A_76] {strides = array<i32>} : memref<4224xi32, #tpu.memory_space<vmem>>, vector<16xi32>,
      tpu.vector_store %arg9[%swap3A_76], %add3A_73 {strides = array<i32>} : memref<4224xi32, #tpu.memory_space<vmem>>, vector<16xi32>,
      %add3A_78 = arith.constant 80 : i32
      %add3A_79 = vector.broadcast %add3A_78 : i32 to vector<16xi32>
      %add3A_80 = arith.addi %iota3A, %add3A_79 : vector<16xi32>
      %add3A_81 = arith.constant 80 : i32
      %add3A_82 = arith.addi %scan3A_42, %add3A_81 : i32
      %swap3A_83 = arith.index_cast %add3A_82 : i32 to index
      %swap3A_84 = tpu.vector_load %arg9[%swap3A_83] {strides = array<i32>} : memref<4224xi32, #tpu.memory_space<vmem>>, vector<16xi32>,
      tpu.vector_store %arg9[%swap3A_83], %add3A_80 {strides = array<i32>} : memref<4224xi32, #tpu.memory_space<vmem>>, vector<16xi32>,
      %add3A_85 = arith.constant 96 : i32
      %add3A_86 = vector.broadcast %add3A_85 : i32 to vector<16xi32>
      %add3A_87 = arith.addi %iota3A, %add3A_86 : vector<16xi32>
      %add3A_88 = arith.constant 96 : i32
      %add3A_89 = arith.addi %scan3A_42, %add3A_88 : i32
      %swap3A_90 = arith.index_cast %add3A_89 : i32 to index
      %swap3A_91 = tpu.vector_load %arg9[%swap3A_90] {strides = array<i32>} : memref<4224xi32, #tpu.memory_space<vmem>>, vector<16xi32>,
      tpu.vector_store %arg9[%swap3A_90], %add3A_87 {strides = array<i32>} : memref<4224xi32, #tpu.memory_space<vmem>>, vector<16xi32>,
      %add3A_92 = arith.constant 112 : i32
      %add3A_93 = vector.broadcast %add3A_92 : i32 to vector<16xi32>
      %add3A_94 = arith.addi %iota3A, %add3A_93 : vector<16xi32>
      %add3A_95 = arith.constant 112 : i32
      %add3A_96 = arith.addi %scan3A_42, %add3A_95 : i32
      %swap3A_97 = arith.index_cast %add3A_96 : i32 to index
      %swap3A_98 = tpu.vector_load %arg9[%swap3A_97] {strides = array<i32>} : memref<4224xi32, #tpu.memory_space<vmem>>, vector<16xi32>,
      tpu.vector_store %arg9[%swap3A_97], %add3A_94 {strides = array<i32>} : memref<4224xi32, #tpu.memory_space<vmem>>, vector<16xi32>,
      %add3A_99 = arith.constant 128 : i32
      %add3A_100 = arith.addi %scan3A_42, %add3A_99 : i32
      %sub3A = arith.constant 1 : i32
      %sub3A_101 = arith.subi %add3A_100, %sub3A : i32
      %jit3A_102 = arith.constant 128 : i32
      %div3A = arith.divsi %sub3A_101, %jit3A_102 : i32
      %sign3A = arith.constant 0 : i32
      %sign3A_103 = arith.cmpi sgt, %sub3A_101, %sign3A : i32
      %sign3A_104 = arith.extui %sign3A_103 : i1 to i32
      %sign3A_105 = arith.constant 0 : i32
      %sign3A_106 = arith.cmpi slt, %sub3A_101, %sign3A_105 : i32
      %sign3A_107 = arith.extui %sign3A_106 : i1 to i32
      %sign3A_108 = arith.subi %sign3A_104, %sign3A_107 : i32
      %sign3A_109 = arith.constant 0 : i32
      %sign3A_110 = arith.cmpi sgt, %jit3A_102, %sign3A_109 : i32
      %sign3A_111 = arith.extui %sign3A_110 : i1 to i32
      %sign3A_112 = arith.constant 0 : i32
      %sign3A_113 = arith.cmpi slt, %jit3A_102, %sign3A_112 : i32
      %sign3A_114 = arith.extui %sign3A_113 : i1 to i32
      %sign3A_115 = arith.subi %sign3A_111, %sign3A_114 : i32
      %ne3A = arith.cmpi ne, %sign3A_108, %sign3A_115 : i32
      %rem3A = arith.remsi %sub3A_101, %jit3A_102 : i32
      %ne3A_116 = arith.constant 0 : i32
      %ne3A_117 = arith.cmpi ne, %rem3A, %ne3A_116 : i32
      %and3A = arith.andi %ne3A, %ne3A_117 : i1
      %sub3A_118 = arith.constant 1 : i32
      %sub3A_119 = arith.subi %div3A, %sub3A_118 : i32
      %select_n3A_120 = arith.select %and3A, %sub3A_119, %div3A : i32
      %while3A = arith.constant 0 : i32
      %while3A_121 = arith.constant 0 : i32
      %while3A_122 = arith.subi %select_n3A_120, %while3A : i32
      %while3A_123 = arith.addi %while3A, %while3A_122 : i32
      %while3A_124 = arith.constant 1 : i32
      %while3A_125 = arith.divsi %while3A_122, %while3A_124 : i32
      %while3A_126 = arith.muli %while3A_125, %while3A_124 : i32
      %while3A_127 = arith.addi %while3A, %while3A_126 : i32
      %while3A_128 = arith.constant 1 : i32
      %while3A_129 = scf.for %while3A_133 = %while3A to %while3A_127 step %while3A_128 iter_args(%while3A_134 = %while3A_121) -> (i32)  : i32 {
        %mul3A_135 = arith.constant 128 : i32
        %mul3A_136 = arith.muli %while3A_133, %mul3A_135 : i32
        %sub3A_137 = arith.subi %scan3A_42, %mul3A_136 : i32
        %min3A = arith.constant 128 : i32
        %min3A_138 = arith.minsi %sub3A_137, %min3A : i32
        %mul3A_139 = arith.constant 128 : i32
        %mul3A_140 = arith.muli %while3A_133, %mul3A_139 : i32
        %dma_start3A = tpu.memref_slice %arg9[%mul3A_140] : memref<4224xi32, #tpu.memory_space<vmem>> -> memref<128xi32, #tpu.memory_space<vmem>>
        %dma_start3A_141 = arith.constant 0 : i32
        %dma_start3A_142 = arith.constant 0 : i32
        %dma_start3A_143 = tpu.memref_slice %arg2[%dma_start3A_141, %dma_start3A_142] : memref<10000x128xf32, #tpu.memory_space<hbm>> -> memref<10000x128xf32, #tpu.memory_space<hbm>>
        tpu.enqueue_indirect_dma source(%dma_start3A_143 : memref<10000x128xf32, #tpu.memory_space<hbm>>) target(%arg11 : memref<128x128xf32, #tpu.memory_space<vmem>>) offsets(%dma_start3A : memref<128xi32, #tpu.memory_space<vmem>>) semaphore(%arg13 : memref<!tpu.dma_semaphore, #tpu.memory_space<semaphore_mem>>)
        %dma_wait3A = tpu.memref_slice %arg9[%mul3A_140] : memref<4224xi32, #tpu.memory_space<vmem>> -> memref<128xi32, #tpu.memory_space<vmem>>
        %dma_wait3A_144 = arith.constant 0 : i32
        %dma_wait3A_145 = arith.constant 0 : i32
        %dma_wait3A_146 = tpu.memref_slice %arg2[%dma_wait3A_144, %dma_wait3A_145] : memref<10000x128xf32, #tpu.memory_space<hbm>> -> memref<10000x128xf32, #tpu.memory_space<hbm>>
        tpu.wait_indirect_dma semaphore(%arg13 : memref<!tpu.dma_semaphore, #tpu.memory_space<semaphore_mem>>) src(%dma_wait3A_146 : memref<10000x128xf32, #tpu.memory_space<hbm>>) dst(%arg11 : memref<128x128xf32, #tpu.memory_space<vmem>>)
        %while3A_147 = arith.constant 0 : i32
        %while3A_148 = arith.constant 0 : i32
        %while3A_149 = arith.subi %min3A_138, %while3A_147 : i32
        %while3A_150 = arith.addi %while3A_147, %while3A_149 : i32
        %while3A_151 = arith.constant 1 : i32
        %while3A_152 = arith.divsi %while3A_149, %while3A_151 : i32
        %while3A_153 = arith.muli %while3A_152, %while3A_151 : i32
        %while3A_154 = arith.addi %while3A_147, %while3A_153 : i32
        %while3A_155 = arith.constant 1 : i32
        %while3A_156 = scf.for %while3A_160 = %while3A_147 to %while3A_154 step %while3A_155 iter_args(%while3A_161 = %while3A_148) -> (i32)  : i32 {
          %mul3A_162 = arith.constant 128 : i32
          %mul3A_163 = arith.muli %while3A_133, %mul3A_162 : i32
          %add3A_164 = arith.addi %mul3A_163, %while3A_160 : i32
          %get3A = arith.index_cast %add3A_164 : i32 to index
          %get3A_165 = tpu.vector_load %arg10[%get3A] {strides = array<i32>} : memref<4240xi32, #tpu.memory_space<vmem>>, vector<16xi32>,
          %slice3A = vector.extract_strided_slice %get3A_165 {offsets = [0], sizes = [1], strides = [1]} : vector<16xi32> to vector<1xi32>
          %squeeze3A = vector.extract %slice3A[0] : i32 from vector<1xi32>
          %sub3A_166 = arith.subi %squeeze3A, %mul3A_2 : i32
          %get3A_167 = arith.index_cast %sub3A_166 : i32 to index
          %get3A_168 = arith.constant 0 : index
          %get3A_169 = tpu.vector_load %arg12[%get3A_167, %get3A_168] {strides = array<i32>} : memref<320x128xf32, #tpu.memory_space<vmem>>, vector<16xf32>,
          %get3A_170 = arith.index_cast %while3A_160 : i32 to index
          %get3A_171 = arith.constant 0 : index
          %get3A_172 = tpu.vector_load %arg11[%get3A_170, %get3A_171] {strides = array<i32>} : memref<128x128xf32, #tpu.memory_space<vmem>>, vector<16xf32>,
          %add3A_173 = arith.addf %get3A_169, %get3A_172 : vector<16xf32>
          %swap3A_174 = arith.index_cast %sub3A_166 : i32 to index
          %swap3A_175 = arith.constant 0 : index
          %swap3A_176 = tpu.vector_load %arg12[%swap3A_174, %swap3A_175] {strides = array<i32>} : memref<320x128xf32, #tpu.memory_space<vmem>>, vector<16xf32>,
          tpu.vector_store %arg12[%swap3A_174, %swap3A_175], %add3A_173 {strides = array<i32>} : memref<320x128xf32, #tpu.memory_space<vmem>>, vector<16xf32>,
          %get3A_177 = arith.index_cast %sub3A_166 : i32 to index
          %get3A_178 = arith.constant 16 : index
          %get3A_179 = tpu.vector_load %arg12[%get3A_177, %get3A_178] {strides = array<i32>} : memref<320x128xf32, #tpu.memory_space<vmem>>, vector<16xf32>,
          %get3A_180 = arith.index_cast %while3A_160 : i32 to index
          %get3A_181 = arith.constant 16 : index
          %get3A_182 = tpu.vector_load %arg11[%get3A_180, %get3A_181] {strides = array<i32>} : memref<128x128xf32, #tpu.memory_space<vmem>>, vector<16xf32>,
          %add3A_183 = arith.addf %get3A_179, %get3A_182 : vector<16xf32>
          %swap3A_184 = arith.index_cast %sub3A_166 : i32 to index
          %swap3A_185 = arith.constant 16 : index
          %swap3A_186 = tpu.vector_load %arg12[%swap3A_184, %swap3A_185] {strides = array<i32>} : memref<320x128xf32, #tpu.memory_space<vmem>>, vector<16xf32>,
          tpu.vector_store %arg12[%swap3A_184, %swap3A_185], %add3A_183 {strides = array<i32>} : memref<320x128xf32, #tpu.memory_space<vmem>>, vector<16xf32>,
          %get3A_187 = arith.index_cast %sub3A_166 : i32 to index
          %get3A_188 = arith.constant 32 : index
          %get3A_189 = tpu.vector_load %arg12[%get3A_187, %get3A_188] {strides = array<i32>} : memref<320x128xf32, #tpu.memory_space<vmem>>, vector<16xf32>,
          %get3A_190 = arith.index_cast %while3A_160 : i32 to index
          %get3A_191 = arith.constant 32 : index
          %get3A_192 = tpu.vector_load %arg11[%get3A_190, %get3A_191] {strides = array<i32>} : memref<128x128xf32, #tpu.memory_space<vmem>>, vector<16xf32>,
          %add3A_193 = arith.addf %get3A_189, %get3A_192 : vector<16xf32>
          %swap3A_194 = arith.index_cast %sub3A_166 : i32 to index
          %swap3A_195 = arith.constant 32 : index
          %swap3A_196 = tpu.vector_load %arg12[%swap3A_194, %swap3A_195] {strides = array<i32>} : memref<320x128xf32, #tpu.memory_space<vmem>>, vector<16xf32>,
          tpu.vector_store %arg12[%swap3A_194, %swap3A_195], %add3A_193 {strides = array<i32>} : memref<320x128xf32, #tpu.memory_space<vmem>>, vector<16xf32>,
          %get3A_197 = arith.index_cast %sub3A_166 : i32 to index
          %get3A_198 = arith.constant 48 : index
          %get3A_199 = tpu.vector_load %arg12[%get3A_197, %get3A_198] {strides = array<i32>} : memref<320x128xf32, #tpu.memory_space<vmem>>, vector<16xf32>,
          %get3A_200 = arith.index_cast %while3A_160 : i32 to index
          %get3A_201 = arith.constant 48 : index
          %get3A_202 = tpu.vector_load %arg11[%get3A_200, %get3A_201] {strides = array<i32>} : memref<128x128xf32, #tpu.memory_space<vmem>>, vector<16xf32>,
          %add3A_203 = arith.addf %get3A_199, %get3A_202 : vector<16xf32>
          %swap3A_204 = arith.index_cast %sub3A_166 : i32 to index
          %swap3A_205 = arith.constant 48 : index
          %swap3A_206 = tpu.vector_load %arg12[%swap3A_204, %swap3A_205] {strides = array<i32>} : memref<320x128xf32, #tpu.memory_space<vmem>>, vector<16xf32>,
          tpu.vector_store %arg12[%swap3A_204, %swap3A_205], %add3A_203 {strides = array<i32>} : memref<320x128xf32, #tpu.memory_space<vmem>>, vector<16xf32>,
          %get3A_207 = arith.index_cast %sub3A_166 : i32 to index
          %get3A_208 = arith.constant 64 : index
          %get3A_209 = tpu.vector_load %arg12[%get3A_207, %get3A_208] {strides = array<i32>} : memref<320x128xf32, #tpu.memory_space<vmem>>, vector<16xf32>,
          %get3A_210 = arith.index_cast %while3A_160 : i32 to index
          %get3A_211 = arith.constant 64 : index
          %get3A_212 = tpu.vector_load %arg11[%get3A_210, %get3A_211] {strides = array<i32>} : memref<128x128xf32, #tpu.memory_space<vmem>>, vector<16xf32>,
          %add3A_213 = arith.addf %get3A_209, %get3A_212 : vector<16xf32>
          %swap3A_214 = arith.index_cast %sub3A_166 : i32 to index
          %swap3A_215 = arith.constant 64 : index
          %swap3A_216 = tpu.vector_load %arg12[%swap3A_214, %swap3A_215] {strides = array<i32>} : memref<320x128xf32, #tpu.memory_space<vmem>>, vector<16xf32>,
          tpu.vector_store %arg12[%swap3A_214, %swap3A_215], %add3A_213 {strides = array<i32>} : memref<320x128xf32, #tpu.memory_space<vmem>>, vector<16xf32>,
          %get3A_217 = arith.index_cast %sub3A_166 : i32 to index
          %get3A_218 = arith.constant 80 : index
          %get3A_219 = tpu.vector_load %arg12[%get3A_217, %get3A_218] {strides = array<i32>} : memref<320x128xf32, #tpu.memory_space<vmem>>, vector<16xf32>,
          %get3A_220 = arith.index_cast %while3A_160 : i32 to index
          %get3A_221 = arith.constant 80 : index
          %get3A_222 = tpu.vector_load %arg11[%get3A_220, %get3A_221] {strides = array<i32>} : memref<128x128xf32, #tpu.memory_space<vmem>>, vector<16xf32>,
          %add3A_223 = arith.addf %get3A_219, %get3A_222 : vector<16xf32>
          %swap3A_224 = arith.index_cast %sub3A_166 : i32 to index
          %swap3A_225 = arith.constant 80 : index
          %swap3A_226 = tpu.vector_load %arg12[%swap3A_224, %swap3A_225] {strides = array<i32>} : memref<320x128xf32, #tpu.memory_space<vmem>>, vector<16xf32>,
          tpu.vector_store %arg12[%swap3A_224, %swap3A_225], %add3A_223 {strides = array<i32>} : memref<320x128xf32, #tpu.memory_space<vmem>>, vector<16xf32>,
          %get3A_227 = arith.index_cast %sub3A_166 : i32 to index
          %get3A_228 = arith.constant 96 : index
          %get3A_229 = tpu.vector_load %arg12[%get3A_227, %get3A_228] {strides = array<i32>} : memref<320x128xf32, #tpu.memory_space<vmem>>, vector<16xf32>,
          %get3A_230 = arith.index_cast %while3A_160 : i32 to index
          %get3A_231 = arith.constant 96 : index
          %get3A_232 = tpu.vector_load %arg11[%get3A_230, %get3A_231] {strides = array<i32>} : memref<128x128xf32, #tpu.memory_space<vmem>>, vector<16xf32>,
          %add3A_233 = arith.addf %get3A_229, %get3A_232 : vector<16xf32>
          %swap3A_234 = arith.index_cast %sub3A_166 : i32 to index
          %swap3A_235 = arith.constant 96 : index
          %swap3A_236 = tpu.vector_load %arg12[%swap3A_234, %swap3A_235] {strides = array<i32>} : memref<320x128xf32, #tpu.memory_space<vmem>>, vector<16xf32>,
          tpu.vector_store %arg12[%swap3A_234, %swap3A_235], %add3A_233 {strides = array<i32>} : memref<320x128xf32, #tpu.memory_space<vmem>>, vector<16xf32>,
          %get3A_237 = arith.index_cast %sub3A_166 : i32 to index
          %get3A_238 = arith.constant 112 : index
          %get3A_239 = tpu.vector_load %arg12[%get3A_237, %get3A_238] {strides = array<i32>} : memref<320x128xf32, #tpu.memory_space<vmem>>, vector<16xf32>,
          %get3A_240 = arith.index_cast %while3A_160 : i32 to index
          %get3A_241 = arith.constant 112 : index
          %get3A_242 = tpu.vector_load %arg11[%get3A_240, %get3A_241] {strides = array<i32>} : memref<128x128xf32, #tpu.memory_space<vmem>>, vector<16xf32>,
          %add3A_243 = arith.addf %get3A_239, %get3A_242 : vector<16xf32>
          %swap3A_244 = arith.index_cast %sub3A_166 : i32 to index
          %swap3A_245 = arith.constant 112 : index
          %swap3A_246 = tpu.vector_load %arg12[%swap3A_244, %swap3A_245] {strides = array<i32>} : memref<320x128xf32, #tpu.memory_space<vmem>>, vector<16xf32>,
          tpu.vector_store %arg12[%swap3A_244, %swap3A_245], %add3A_243 {strides = array<i32>} : memref<320x128xf32, #tpu.memory_space<vmem>>, vector<16xf32>,
          %get3A_247 = arith.index_cast %sub3A_166 : i32 to index
          %get3A_248 = tpu.vector_load %arg14[%get3A_247] {strides = array<i32>} : memref<336xf32, #tpu.memory_space<vmem>>, vector<16xf32>,
          %add3A_249 = arith.addf %get3A_248, %select_n3A : vector<16xf32>
          %swap3A_250 = arith.index_cast %sub3A_166 : i32 to index
          %swap3A_251 = tpu.vector_load %arg14[%swap3A_250] {strides = array<i32>} : memref<336xf32, #tpu.memory_space<vmem>>, vector<16xf32>,
          tpu.vector_store %arg14[%swap3A_250], %add3A_249 {strides = array<i32>} : memref<336xf32, #tpu.memory_space<vmem>>, vector<16xf32>,
          %while3A_252 = arith.constant 0 : i32
          scf.yield %while3A_252 : i32
        }
        %while3A_157 = arith.constant 1 : i32
        %while3A_158 = scf.for %while3A_160 = %while3A_154 to %while3A_150 step %while3A_157 iter_args(%while3A_161 = %while3A_156) -> (i32)  : i32 {
          %mul3A_162 = arith.constant 128 : i32
          %mul3A_163 = arith.muli %while3A_133, %mul3A_162 : i32
          %add3A_164 = arith.addi %mul3A_163, %while3A_160 : i32
          %get3A = arith.index_cast %add3A_164 : i32 to index
          %get3A_165 = tpu.vector_load %arg10[%get3A] {strides = array<i32>} : memref<4240xi32, #tpu.memory_space<vmem>>, vector<16xi32>,
          %slice3A = vector.extract_strided_slice %get3A_165 {offsets = [0], sizes = [1], strides = [1]} : vector<16xi32> to vector<1xi32>
          %squeeze3A = vector.extract %slice3A[0] : i32 from vector<1xi32>
          %sub3A_166 = arith.subi %squeeze3A, %mul3A_2 : i32
          %get3A_167 = arith.index_cast %sub3A_166 : i32 to index
          %get3A_168 = arith.constant 0 : index
          %get3A_169 = tpu.vector_load %arg12[%get3A_167, %get3A_168] {strides = array<i32>} : memref<320x128xf32, #tpu.memory_space<vmem>>, vector<16xf32>,
          %get3A_170 = arith.index_cast %while3A_160 : i32 to index
          %get3A_171 = arith.constant 0 : index
          %get3A_172 = tpu.vector_load %arg11[%get3A_170, %get3A_171] {strides = array<i32>} : memref<128x128xf32, #tpu.memory_space<vmem>>, vector<16xf32>,
          %add3A_173 = arith.addf %get3A_169, %get3A_172 : vector<16xf32>
          %swap3A_174 = arith.index_cast %sub3A_166 : i32 to index
          %swap3A_175 = arith.constant 0 : index
          %swap3A_176 = tpu.vector_load %arg12[%swap3A_174, %swap3A_175] {strides = array<i32>} : memref<320x128xf32, #tpu.memory_space<vmem>>, vector<16xf32>,
          tpu.vector_store %arg12[%swap3A_174, %swap3A_175], %add3A_173 {strides = array<i32>} : memref<320x128xf32, #tpu.memory_space<vmem>>, vector<16xf32>,
          %get3A_177 = arith.index_cast %sub3A_166 : i32 to index
          %get3A_178 = arith.constant 16 : index
          %get3A_179 = tpu.vector_load %arg12[%get3A_177, %get3A_178] {strides = array<i32>} : memref<320x128xf32, #tpu.memory_space<vmem>>, vector<16xf32>,
          %get3A_180 = arith.index_cast %while3A_160 : i32 to index
          %get3A_181 = arith.constant 16 : index
          %get3A_182 = tpu.vector_load %arg11[%get3A_180, %get3A_181] {strides = array<i32>} : memref<128x128xf32, #tpu.memory_space<vmem>>, vector<16xf32>,
          %add3A_183 = arith.addf %get3A_179, %get3A_182 : vector<16xf32>
          %swap3A_184 = arith.index_cast %sub3A_166 : i32 to index
          %swap3A_185 = arith.constant 16 : index
          %swap3A_186 = tpu.vector_load %arg12[%swap3A_184, %swap3A_185] {strides = array<i32>} : memref<320x128xf32, #tpu.memory_space<vmem>>, vector<16xf32>,
          tpu.vector_store %arg12[%swap3A_184, %swap3A_185], %add3A_183 {strides = array<i32>} : memref<320x128xf32, #tpu.memory_space<vmem>>, vector<16xf32>,
          %get3A_187 = arith.index_cast %sub3A_166 : i32 to index
          %get3A_188 = arith.constant 32 : index
          %get3A_189 = tpu.vector_load %arg12[%get3A_187, %get3A_188] {strides = array<i32>} : memref<320x128xf32, #tpu.memory_space<vmem>>, vector<16xf32>,
          %get3A_190 = arith.index_cast %while3A_160 : i32 to index
          %get3A_191 = arith.constant 32 : index
          %get3A_192 = tpu.vector_load %arg11[%get3A_190, %get3A_191] {strides = array<i32>} : memref<128x128xf32, #tpu.memory_space<vmem>>, vector<16xf32>,
          %add3A_193 = arith.addf %get3A_189, %get3A_192 : vector<16xf32>
          %swap3A_194 = arith.index_cast %sub3A_166 : i32 to index
          %swap3A_195 = arith.constant 32 : index
          %swap3A_196 = tpu.vector_load %arg12[%swap3A_194, %swap3A_195] {strides = array<i32>} : memref<320x128xf32, #tpu.memory_space<vmem>>, vector<16xf32>,
          tpu.vector_store %arg12[%swap3A_194, %swap3A_195], %add3A_193 {strides = array<i32>} : memref<320x128xf32, #tpu.memory_space<vmem>>, vector<16xf32>,
          %get3A_197 = arith.index_cast %sub3A_166 : i32 to index
          %get3A_198 = arith.constant 48 : index
          %get3A_199 = tpu.vector_load %arg12[%get3A_197, %get3A_198] {strides = array<i32>} : memref<320x128xf32, #tpu.memory_space<vmem>>, vector<16xf32>,
          %get3A_200 = arith.index_cast %while3A_160 : i32 to index
          %get3A_201 = arith.constant 48 : index
          %get3A_202 = tpu.vector_load %arg11[%get3A_200, %get3A_201] {strides = array<i32>} : memref<128x128xf32, #tpu.memory_space<vmem>>, vector<16xf32>,
          %add3A_203 = arith.addf %get3A_199, %get3A_202 : vector<16xf32>
          %swap3A_204 = arith.index_cast %sub3A_166 : i32 to index
          %swap3A_205 = arith.constant 48 : index
          %swap3A_206 = tpu.vector_load %arg12[%swap3A_204, %swap3A_205] {strides = array<i32>} : memref<320x128xf32, #tpu.memory_space<vmem>>, vector<16xf32>,
          tpu.vector_store %arg12[%swap3A_204, %swap3A_205], %add3A_203 {strides = array<i32>} : memref<320x128xf32, #tpu.memory_space<vmem>>, vector<16xf32>,
          %get3A_207 = arith.index_cast %sub3A_166 : i32 to index
          %get3A_208 = arith.constant 64 : index
          %get3A_209 = tpu.vector_load %arg12[%get3A_207, %get3A_208] {strides = array<i32>} : memref<320x128xf32, #tpu.memory_space<vmem>>, vector<16xf32>,
          %get3A_210 = arith.index_cast %while3A_160 : i32 to index
          %get3A_211 = arith.constant 64 : index
          %get3A_212 = tpu.vector_load %arg11[%get3A_210, %get3A_211] {strides = array<i32>} : memref<128x128xf32, #tpu.memory_space<vmem>>, vector<16xf32>,
          %add3A_213 = arith.addf %get3A_209, %get3A_212 : vector<16xf32>
          %swap3A_214 = arith.index_cast %sub3A_166 : i32 to index
          %swap3A_215 = arith.constant 64 : index
          %swap3A_216 = tpu.vector_load %arg12[%swap3A_214, %swap3A_215] {strides = array<i32>} : memref<320x128xf32, #tpu.memory_space<vmem>>, vector<16xf32>,
          tpu.vector_store %arg12[%swap3A_214, %swap3A_215], %add3A_213 {strides = array<i32>} : memref<320x128xf32, #tpu.memory_space<vmem>>, vector<16xf32>,
          %get3A_217 = arith.index_cast %sub3A_166 : i32 to index
          %get3A_218 = arith.constant 80 : index
          %get3A_219 = tpu.vector_load %arg12[%get3A_217, %get3A_218] {strides = array<i32>} : memref<320x128xf32, #tpu.memory_space<vmem>>, vector<16xf32>,
          %get3A_220 = arith.index_cast %while3A_160 : i32 to index
          %get3A_221 = arith.constant 80 : index
          %get3A_222 = tpu.vector_load %arg11[%get3A_220, %get3A_221] {strides = array<i32>} : memref<128x128xf32, #tpu.memory_space<vmem>>, vector<16xf32>,
          %add3A_223 = arith.addf %get3A_219, %get3A_222 : vector<16xf32>
          %swap3A_224 = arith.index_cast %sub3A_166 : i32 to index
          %swap3A_225 = arith.constant 80 : index
          %swap3A_226 = tpu.vector_load %arg12[%swap3A_224, %swap3A_225] {strides = array<i32>} : memref<320x128xf32, #tpu.memory_space<vmem>>, vector<16xf32>,
          tpu.vector_store %arg12[%swap3A_224, %swap3A_225], %add3A_223 {strides = array<i32>} : memref<320x128xf32, #tpu.memory_space<vmem>>, vector<16xf32>,
          %get3A_227 = arith.index_cast %sub3A_166 : i32 to index
          %get3A_228 = arith.constant 96 : index
          %get3A_229 = tpu.vector_load %arg12[%get3A_227, %get3A_228] {strides = array<i32>} : memref<320x128xf32, #tpu.memory_space<vmem>>, vector<16xf32>,
          %get3A_230 = arith.index_cast %while3A_160 : i32 to index
          %get3A_231 = arith.constant 96 : index
          %get3A_232 = tpu.vector_load %arg11[%get3A_230, %get3A_231] {strides = array<i32>} : memref<128x128xf32, #tpu.memory_space<vmem>>, vector<16xf32>,
          %add3A_233 = arith.addf %get3A_229, %get3A_232 : vector<16xf32>
          %swap3A_234 = arith.index_cast %sub3A_166 : i32 to index
          %swap3A_235 = arith.constant 96 : index
          %swap3A_236 = tpu.vector_load %arg12[%swap3A_234, %swap3A_235] {strides = array<i32>} : memref<320x128xf32, #tpu.memory_space<vmem>>, vector<16xf32>,
          tpu.vector_store %arg12[%swap3A_234, %swap3A_235], %add3A_233 {strides = array<i32>} : memref<320x128xf32, #tpu.memory_space<vmem>>, vector<16xf32>,
          %get3A_237 = arith.index_cast %sub3A_166 : i32 to index
          %get3A_238 = arith.constant 112 : index
          %get3A_239 = tpu.vector_load %arg12[%get3A_237, %get3A_238] {strides = array<i32>} : memref<320x128xf32, #tpu.memory_space<vmem>>, vector<16xf32>,
          %get3A_240 = arith.index_cast %while3A_160 : i32 to index
          %get3A_241 = arith.constant 112 : index
          %get3A_242 = tpu.vector_load %arg11[%get3A_240, %get3A_241] {strides = array<i32>} : memref<128x128xf32, #tpu.memory_space<vmem>>, vector<16xf32>,
          %add3A_243 = arith.addf %get3A_239, %get3A_242 : vector<16xf32>
          %swap3A_244 = arith.index_cast %sub3A_166 : i32 to index
          %swap3A_245 = arith.constant 112 : index
          %swap3A_246 = tpu.vector_load %arg12[%swap3A_244, %swap3A_245] {strides = array<i32>} : memref<320x128xf32, #tpu.memory_space<vmem>>, vector<16xf32>,
          tpu.vector_store %arg12[%swap3A_244, %swap3A_245], %add3A_243 {strides = array<i32>} : memref<320x128xf32, #tpu.memory_space<vmem>>, vector<16xf32>,
          %get3A_247 = arith.index_cast %sub3A_166 : i32 to index
          %get3A_248 = tpu.vector_load %arg14[%get3A_247] {strides = array<i32>} : memref<336xf32, #tpu.memory_space<vmem>>, vector<16xf32>,
          %add3A_249 = arith.addf %get3A_248, %select_n3A : vector<16xf32>
          %swap3A_250 = arith.index_cast %sub3A_166 : i32 to index
          %swap3A_251 = tpu.vector_load %arg14[%swap3A_250] {strides = array<i32>} : memref<336xf32, #tpu.memory_space<vmem>>, vector<16xf32>,
          tpu.vector_store %arg14[%swap3A_250], %add3A_249 {strides = array<i32>} : memref<336xf32, #tpu.memory_space<vmem>>, vector<16xf32>,
          %while3A_252 = arith.constant 0 : i32
          scf.yield %while3A_252 : i32
        }
        %while3A_159 = arith.constant 0 : i32
        scf.yield %while3A_159 : i32
      }
      %while3A_130 = arith.constant 1 : i32
      %while3A_131 = scf.for %while3A_133 = %while3A_127 to %while3A_123 step %while3A_130 iter_args(%while3A_134 = %while3A_129) -> (i32)  : i32 {
        %mul3A_135 = arith.constant 128 : i32
        %mul3A_136 = arith.muli %while3A_133, %mul3A_135 : i32
        %sub3A_137 = arith.subi %scan3A_42, %mul3A_136 : i32
        %min3A = arith.constant 128 : i32
        %min3A_138 = arith.minsi %sub3A_137, %min3A : i32
        %mul3A_139 = arith.constant 128 : i32
        %mul3A_140 = arith.muli %while3A_133, %mul3A_139 : i32
        %dma_start3A = tpu.memref_slice %arg9[%mul3A_140] : memref<4224xi32, #tpu.memory_space<vmem>> -> memref<128xi32, #tpu.memory_space<vmem>>
        %dma_start3A_141 = arith.constant 0 : i32
        %dma_start3A_142 = arith.constant 0 : i32
        %dma_start3A_143 = tpu.memref_slice %arg2[%dma_start3A_141, %dma_start3A_142] : memref<10000x128xf32, #tpu.memory_space<hbm>> -> memref<10000x128xf32, #tpu.memory_space<hbm>>
        tpu.enqueue_indirect_dma source(%dma_start3A_143 : memref<10000x128xf32, #tpu.memory_space<hbm>>) target(%arg11 : memref<128x128xf32, #tpu.memory_space<vmem>>) offsets(%dma_start3A : memref<128xi32, #tpu.memory_space<vmem>>) semaphore(%arg13 : memref<!tpu.dma_semaphore, #tpu.memory_space<semaphore_mem>>)
        %dma_wait3A = tpu.memref_slice %arg9[%mul3A_140] : memref<4224xi32, #tpu.memory_space<vmem>> -> memref<128xi32, #tpu.memory_space<vmem>>
        %dma_wait3A_144 = arith.constant 0 : i32
        %dma_wait3A_145 = arith.constant 0 : i32
        %dma_wait3A_146 = tpu.memref_slice %arg2[%dma_wait3A_144, %dma_wait3A_145] : memref<10000x128xf32, #tpu.memory_space<hbm>> -> memref<10000x128xf32, #tpu.memory_space<hbm>>
        tpu.wait_indirect_dma semaphore(%arg13 : memref<!tpu.dma_semaphore, #tpu.memory_space<semaphore_mem>>) src(%dma_wait3A_146 : memref<10000x128xf32, #tpu.memory_space<hbm>>) dst(%arg11 : memref<128x128xf32, #tpu.memory_space<vmem>>)
        %while3A_147 = arith.constant 0 : i32
        %while3A_148 = arith.constant 0 : i32
        %while3A_149 = arith.subi %min3A_138, %while3A_147 : i32
        %while3A_150 = arith.addi %while3A_147, %while3A_149 : i32
        %while3A_151 = arith.constant 1 : i32
        %while3A_152 = arith.divsi %while3A_149, %while3A_151 : i32
        %while3A_153 = arith.muli %while3A_152, %while3A_151 : i32
        %while3A_154 = arith.addi %while3A_147, %while3A_153 : i32
        %while3A_155 = arith.constant 1 : i32
        %while3A_156 = scf.for %while3A_160 = %while3A_147 to %while3A_154 step %while3A_155 iter_args(%while3A_161 = %while3A_148) -> (i32)  : i32 {
          %mul3A_162 = arith.constant 128 : i32
          %mul3A_163 = arith.muli %while3A_133, %mul3A_162 : i32
          %add3A_164 = arith.addi %mul3A_163, %while3A_160 : i32
          %get3A = arith.index_cast %add3A_164 : i32 to index
          %get3A_165 = tpu.vector_load %arg10[%get3A] {strides = array<i32>} : memref<4240xi32, #tpu.memory_space<vmem>>, vector<16xi32>,
          %slice3A = vector.extract_strided_slice %get3A_165 {offsets = [0], sizes = [1], strides = [1]} : vector<16xi32> to vector<1xi32>
          %squeeze3A = vector.extract %slice3A[0] : i32 from vector<1xi32>
          %sub3A_166 = arith.subi %squeeze3A, %mul3A_2 : i32
          %get3A_167 = arith.index_cast %sub3A_166 : i32 to index
          %get3A_168 = arith.constant 0 : index
          %get3A_169 = tpu.vector_load %arg12[%get3A_167, %get3A_168] {strides = array<i32>} : memref<320x128xf32, #tpu.memory_space<vmem>>, vector<16xf32>,
          %get3A_170 = arith.index_cast %while3A_160 : i32 to index
          %get3A_171 = arith.constant 0 : index
          %get3A_172 = tpu.vector_load %arg11[%get3A_170, %get3A_171] {strides = array<i32>} : memref<128x128xf32, #tpu.memory_space<vmem>>, vector<16xf32>,
          %add3A_173 = arith.addf %get3A_169, %get3A_172 : vector<16xf32>
          %swap3A_174 = arith.index_cast %sub3A_166 : i32 to index
          %swap3A_175 = arith.constant 0 : index
          %swap3A_176 = tpu.vector_load %arg12[%swap3A_174, %swap3A_175] {strides = array<i32>} : memref<320x128xf32, #tpu.memory_space<vmem>>, vector<16xf32>,
          tpu.vector_store %arg12[%swap3A_174, %swap3A_175], %add3A_173 {strides = array<i32>} : memref<320x128xf32, #tpu.memory_space<vmem>>, vector<16xf32>,
          %get3A_177 = arith.index_cast %sub3A_166 : i32 to index
          %get3A_178 = arith.constant 16 : index
          %get3A_179 = tpu.vector_load %arg12[%get3A_177, %get3A_178] {strides = array<i32>} : memref<320x128xf32, #tpu.memory_space<vmem>>, vector<16xf32>,
          %get3A_180 = arith.index_cast %while3A_160 : i32 to index
          %get3A_181 = arith.constant 16 : index
          %get3A_182 = tpu.vector_load %arg11[%get3A_180, %get3A_181] {strides = array<i32>} : memref<128x128xf32, #tpu.memory_space<vmem>>, vector<16xf32>,
          %add3A_183 = arith.addf %get3A_179, %get3A_182 : vector<16xf32>
          %swap3A_184 = arith.index_cast %sub3A_166 : i32 to index
          %swap3A_185 = arith.constant 16 : index
          %swap3A_186 = tpu.vector_load %arg12[%swap3A_184, %swap3A_185] {strides = array<i32>} : memref<320x128xf32, #tpu.memory_space<vmem>>, vector<16xf32>,
          tpu.vector_store %arg12[%swap3A_184, %swap3A_185], %add3A_183 {strides = array<i32>} : memref<320x128xf32, #tpu.memory_space<vmem>>, vector<16xf32>,
          %get3A_187 = arith.index_cast %sub3A_166 : i32 to index
          %get3A_188 = arith.constant 32 : index
          %get3A_189 = tpu.vector_load %arg12[%get3A_187, %get3A_188] {strides = array<i32>} : memref<320x128xf32, #tpu.memory_space<vmem>>, vector<16xf32>,
          %get3A_190 = arith.index_cast %while3A_160 : i32 to index
          %get3A_191 = arith.constant 32 : index
          %get3A_192 = tpu.vector_load %arg11[%get3A_190, %get3A_191] {strides = array<i32>} : memref<128x128xf32, #tpu.memory_space<vmem>>, vector<16xf32>,
          %add3A_193 = arith.addf %get3A_189, %get3A_192 : vector<16xf32>
          %swap3A_194 = arith.index_cast %sub3A_166 : i32 to index
          %swap3A_195 = arith.constant 32 : index
          %swap3A_196 = tpu.vector_load %arg12[%swap3A_194, %swap3A_195] {strides = array<i32>} : memref<320x128xf32, #tpu.memory_space<vmem>>, vector<16xf32>,
          tpu.vector_store %arg12[%swap3A_194, %swap3A_195], %add3A_193 {strides = array<i32>} : memref<320x128xf32, #tpu.memory_space<vmem>>, vector<16xf32>,
          %get3A_197 = arith.index_cast %sub3A_166 : i32 to index
          %get3A_198 = arith.constant 48 : index
          %get3A_199 = tpu.vector_load %arg12[%get3A_197, %get3A_198] {strides = array<i32>} : memref<320x128xf32, #tpu.memory_space<vmem>>, vector<16xf32>,
          %get3A_200 = arith.index_cast %while3A_160 : i32 to index
          %get3A_201 = arith.constant 48 : index
          %get3A_202 = tpu.vector_load %arg11[%get3A_200, %get3A_201] {strides = array<i32>} : memref<128x128xf32, #tpu.memory_space<vmem>>, vector<16xf32>,
          %add3A_203 = arith.addf %get3A_199, %get3A_202 : vector<16xf32>
          %swap3A_204 = arith.index_cast %sub3A_166 : i32 to index
          %swap3A_205 = arith.constant 48 : index
          %swap3A_206 = tpu.vector_load %arg12[%swap3A_204, %swap3A_205] {strides = array<i32>} : memref<320x128xf32, #tpu.memory_space<vmem>>, vector<16xf32>,
          tpu.vector_store %arg12[%swap3A_204, %swap3A_205], %add3A_203 {strides = array<i32>} : memref<320x128xf32, #tpu.memory_space<vmem>>, vector<16xf32>,
          %get3A_207 = arith.index_cast %sub3A_166 : i32 to index
          %get3A_208 = arith.constant 64 : index
          %get3A_209 = tpu.vector_load %arg12[%get3A_207, %get3A_208] {strides = array<i32>} : memref<320x128xf32, #tpu.memory_space<vmem>>, vector<16xf32>,
          %get3A_210 = arith.index_cast %while3A_160 : i32 to index
          %get3A_211 = arith.constant 64 : index
          %get3A_212 = tpu.vector_load %arg11[%get3A_210, %get3A_211] {strides = array<i32>} : memref<128x128xf32, #tpu.memory_space<vmem>>, vector<16xf32>,
          %add3A_213 = arith.addf %get3A_209, %get3A_212 : vector<16xf32>
          %swap3A_214 = arith.index_cast %sub3A_166 : i32 to index
          %swap3A_215 = arith.constant 64 : index
          %swap3A_216 = tpu.vector_load %arg12[%swap3A_214, %swap3A_215] {strides = array<i32>} : memref<320x128xf32, #tpu.memory_space<vmem>>, vector<16xf32>,
          tpu.vector_store %arg12[%swap3A_214, %swap3A_215], %add3A_213 {strides = array<i32>} : memref<320x128xf32, #tpu.memory_space<vmem>>, vector<16xf32>,
          %get3A_217 = arith.index_cast %sub3A_166 : i32 to index
          %get3A_218 = arith.constant 80 : index
          %get3A_219 = tpu.vector_load %arg12[%get3A_217, %get3A_218] {strides = array<i32>} : memref<320x128xf32, #tpu.memory_space<vmem>>, vector<16xf32>,
          %get3A_220 = arith.index_cast %while3A_160 : i32 to index
          %get3A_221 = arith.constant 80 : index
          %get3A_222 = tpu.vector_load %arg11[%get3A_220, %get3A_221] {strides = array<i32>} : memref<128x128xf32, #tpu.memory_space<vmem>>, vector<16xf32>,
          %add3A_223 = arith.addf %get3A_219, %get3A_222 : vector<16xf32>
          %swap3A_224 = arith.index_cast %sub3A_166 : i32 to index
          %swap3A_225 = arith.constant 80 : index
          %swap3A_226 = tpu.vector_load %arg12[%swap3A_224, %swap3A_225] {strides = array<i32>} : memref<320x128xf32, #tpu.memory_space<vmem>>, vector<16xf32>,
          tpu.vector_store %arg12[%swap3A_224, %swap3A_225], %add3A_223 {strides = array<i32>} : memref<320x128xf32, #tpu.memory_space<vmem>>, vector<16xf32>,
          %get3A_227 = arith.index_cast %sub3A_166 : i32 to index
          %get3A_228 = arith.constant 96 : index
          %get3A_229 = tpu.vector_load %arg12[%get3A_227, %get3A_228] {strides = array<i32>} : memref<320x128xf32, #tpu.memory_space<vmem>>, vector<16xf32>,
          %get3A_230 = arith.index_cast %while3A_160 : i32 to index
          %get3A_231 = arith.constant 96 : index
          %get3A_232 = tpu.vector_load %arg11[%get3A_230, %get3A_231] {strides = array<i32>} : memref<128x128xf32, #tpu.memory_space<vmem>>, vector<16xf32>,
          %add3A_233 = arith.addf %get3A_229, %get3A_232 : vector<16xf32>
          %swap3A_234 = arith.index_cast %sub3A_166 : i32 to index
          %swap3A_235 = arith.constant 96 : index
          %swap3A_236 = tpu.vector_load %arg12[%swap3A_234, %swap3A_235] {strides = array<i32>} : memref<320x128xf32, #tpu.memory_space<vmem>>, vector<16xf32>,
          tpu.vector_store %arg12[%swap3A_234, %swap3A_235], %add3A_233 {strides = array<i32>} : memref<320x128xf32, #tpu.memory_space<vmem>>, vector<16xf32>,
          %get3A_237 = arith.index_cast %sub3A_166 : i32 to index
          %get3A_238 = arith.constant 112 : index
          %get3A_239 = tpu.vector_load %arg12[%get3A_237, %get3A_238] {strides = array<i32>} : memref<320x128xf32, #tpu.memory_space<vmem>>, vector<16xf32>,
          %get3A_240 = arith.index_cast %while3A_160 : i32 to index
          %get3A_241 = arith.constant 112 : index
          %get3A_242 = tpu.vector_load %arg11[%get3A_240, %get3A_241] {strides = array<i32>} : memref<128x128xf32, #tpu.memory_space<vmem>>, vector<16xf32>,
          %add3A_243 = arith.addf %get3A_239, %get3A_242 : vector<16xf32>
          %swap3A_244 = arith.index_cast %sub3A_166 : i32 to index
          %swap3A_245 = arith.constant 112 : index
          %swap3A_246 = tpu.vector_load %arg12[%swap3A_244, %swap3A_245] {strides = array<i32>} : memref<320x128xf32, #tpu.memory_space<vmem>>, vector<16xf32>,
          tpu.vector_store %arg12[%swap3A_244, %swap3A_245], %add3A_243 {strides = array<i32>} : memref<320x128xf32, #tpu.memory_space<vmem>>, vector<16xf32>,
          %get3A_247 = arith.index_cast %sub3A_166 : i32 to index
          %get3A_248 = tpu.vector_load %arg14[%get3A_247] {strides = array<i32>} : memref<336xf32, #tpu.memory_space<vmem>>, vector<16xf32>,
          %add3A_249 = arith.addf %get3A_248, %select_n3A : vector<16xf32>
          %swap3A_250 = arith.index_cast %sub3A_166 : i32 to index
          %swap3A_251 = tpu.vector_load %arg14[%swap3A_250] {strides = array<i32>} : memref<336xf32, #tpu.memory_space<vmem>>, vector<16xf32>,
          tpu.vector_store %arg14[%swap3A_250], %add3A_249 {strides = array<i32>} : memref<336xf32, #tpu.memory_space<vmem>>, vector<16xf32>,
          %while3A_252 = arith.constant 0 : i32
          scf.yield %while3A_252 : i32
        }
        %while3A_157 = arith.constant 1 : i32
        %while3A_158 = scf.for %while3A_160 = %while3A_154 to %while3A_150 step %while3A_157 iter_args(%while3A_161 = %while3A_156) -> (i32)  : i32 {
          %mul3A_162 = arith.constant 128 : i32
          %mul3A_163 = arith.muli %while3A_133, %mul3A_162 : i32
          %add3A_164 = arith.addi %mul3A_163, %while3A_160 : i32
          %get3A = arith.index_cast %add3A_164 : i32 to index
          %get3A_165 = tpu.vector_load %arg10[%get3A] {strides = array<i32>} : memref<4240xi32, #tpu.memory_space<vmem>>, vector<16xi32>,
          %slice3A = vector.extract_strided_slice %get3A_165 {offsets = [0], sizes = [1], strides = [1]} : vector<16xi32> to vector<1xi32>
          %squeeze3A = vector.extract %slice3A[0] : i32 from vector<1xi32>
          %sub3A_166 = arith.subi %squeeze3A, %mul3A_2 : i32
          %get3A_167 = arith.index_cast %sub3A_166 : i32 to index
          %get3A_168 = arith.constant 0 : index
          %get3A_169 = tpu.vector_load %arg12[%get3A_167, %get3A_168] {strides = array<i32>} : memref<320x128xf32, #tpu.memory_space<vmem>>, vector<16xf32>,
          %get3A_170 = arith.index_cast %while3A_160 : i32 to index
          %get3A_171 = arith.constant 0 : index
          %get3A_172 = tpu.vector_load %arg11[%get3A_170, %get3A_171] {strides = array<i32>} : memref<128x128xf32, #tpu.memory_space<vmem>>, vector<16xf32>,
          %add3A_173 = arith.addf %get3A_169, %get3A_172 : vector<16xf32>
          %swap3A_174 = arith.index_cast %sub3A_166 : i32 to index
          %swap3A_175 = arith.constant 0 : index
          %swap3A_176 = tpu.vector_load %arg12[%swap3A_174, %swap3A_175] {strides = array<i32>} : memref<320x128xf32, #tpu.memory_space<vmem>>, vector<16xf32>,
          tpu.vector_store %arg12[%swap3A_174, %swap3A_175], %add3A_173 {strides = array<i32>} : memref<320x128xf32, #tpu.memory_space<vmem>>, vector<16xf32>,
          %get3A_177 = arith.index_cast %sub3A_166 : i32 to index
          %get3A_178 = arith.constant 16 : index
          %get3A_179 = tpu.vector_load %arg12[%get3A_177, %get3A_178] {strides = array<i32>} : memref<320x128xf32, #tpu.memory_space<vmem>>, vector<16xf32>,
          %get3A_180 = arith.index_cast %while3A_160 : i32 to index
          %get3A_181 = arith.constant 16 : index
          %get3A_182 = tpu.vector_load %arg11[%get3A_180, %get3A_181] {strides = array<i32>} : memref<128x128xf32, #tpu.memory_space<vmem>>, vector<16xf32>,
          %add3A_183 = arith.addf %get3A_179, %get3A_182 : vector<16xf32>
          %swap3A_184 = arith.index_cast %sub3A_166 : i32 to index
          %swap3A_185 = arith.constant 16 : index
          %swap3A_186 = tpu.vector_load %arg12[%swap3A_184, %swap3A_185] {strides = array<i32>} : memref<320x128xf32, #tpu.memory_space<vmem>>, vector<16xf32>,
          tpu.vector_store %arg12[%swap3A_184, %swap3A_185], %add3A_183 {strides = array<i32>} : memref<320x128xf32, #tpu.memory_space<vmem>>, vector<16xf32>,
          %get3A_187 = arith.index_cast %sub3A_166 : i32 to index
          %get3A_188 = arith.constant 32 : index
          %get3A_189 = tpu.vector_load %arg12[%get3A_187, %get3A_188] {strides = array<i32>} : memref<320x128xf32, #tpu.memory_space<vmem>>, vector<16xf32>,
          %get3A_190 = arith.index_cast %while3A_160 : i32 to index
          %get3A_191 = arith.constant 32 : index
          %get3A_192 = tpu.vector_load %arg11[%get3A_190, %get3A_191] {strides = array<i32>} : memref<128x128xf32, #tpu.memory_space<vmem>>, vector<16xf32>,
          %add3A_193 = arith.addf %get3A_189, %get3A_192 : vector<16xf32>
          %swap3A_194 = arith.index_cast %sub3A_166 : i32 to index
          %swap3A_195 = arith.constant 32 : index
          %swap3A_196 = tpu.vector_load %arg12[%swap3A_194, %swap3A_195] {strides = array<i32>} : memref<320x128xf32, #tpu.memory_space<vmem>>, vector<16xf32>,
          tpu.vector_store %arg12[%swap3A_194, %swap3A_195], %add3A_193 {strides = array<i32>} : memref<320x128xf32, #tpu.memory_space<vmem>>, vector<16xf32>,
          %get3A_197 = arith.index_cast %sub3A_166 : i32 to index
          %get3A_198 = arith.constant 48 : index
          %get3A_199 = tpu.vector_load %arg12[%get3A_197, %get3A_198] {strides = array<i32>} : memref<320x128xf32, #tpu.memory_space<vmem>>, vector<16xf32>,
          %get3A_200 = arith.index_cast %while3A_160 : i32 to index
          %get3A_201 = arith.constant 48 : index
          %get3A_202 = tpu.vector_load %arg11[%get3A_200, %get3A_201] {strides = array<i32>} : memref<128x128xf32, #tpu.memory_space<vmem>>, vector<16xf32>,
          %add3A_203 = arith.addf %get3A_199, %get3A_202 : vector<16xf32>
          %swap3A_204 = arith.index_cast %sub3A_166 : i32 to index
          %swap3A_205 = arith.constant 48 : index
          %swap3A_206 = tpu.vector_load %arg12[%swap3A_204, %swap3A_205] {strides = array<i32>} : memref<320x128xf32, #tpu.memory_space<vmem>>, vector<16xf32>,
          tpu.vector_store %arg12[%swap3A_204, %swap3A_205], %add3A_203 {strides = array<i32>} : memref<320x128xf32, #tpu.memory_space<vmem>>, vector<16xf32>,
          %get3A_207 = arith.index_cast %sub3A_166 : i32 to index
          %get3A_208 = arith.constant 64 : index
          %get3A_209 = tpu.vector_load %arg12[%get3A_207, %get3A_208] {strides = array<i32>} : memref<320x128xf32, #tpu.memory_space<vmem>>, vector<16xf32>,
          %get3A_210 = arith.index_cast %while3A_160 : i32 to index
          %get3A_211 = arith.constant 64 : index
          %get3A_212 = tpu.vector_load %arg11[%get3A_210, %get3A_211] {strides = array<i32>} : memref<128x128xf32, #tpu.memory_space<vmem>>, vector<16xf32>,
          %add3A_213 = arith.addf %get3A_209, %get3A_212 : vector<16xf32>
          %swap3A_214 = arith.index_cast %sub3A_166 : i32 to index
          %swap3A_215 = arith.constant 64 : index
          %swap3A_216 = tpu.vector_load %arg12[%swap3A_214, %swap3A_215] {strides = array<i32>} : memref<320x128xf32, #tpu.memory_space<vmem>>, vector<16xf32>,
          tpu.vector_store %arg12[%swap3A_214, %swap3A_215], %add3A_213 {strides = array<i32>} : memref<320x128xf32, #tpu.memory_space<vmem>>, vector<16xf32>,
          %get3A_217 = arith.index_cast %sub3A_166 : i32 to index
          %get3A_218 = arith.constant 80 : index
          %get3A_219 = tpu.vector_load %arg12[%get3A_217, %get3A_218] {strides = array<i32>} : memref<320x128xf32, #tpu.memory_space<vmem>>, vector<16xf32>,
          %get3A_220 = arith.index_cast %while3A_160 : i32 to index
          %get3A_221 = arith.constant 80 : index
          %get3A_222 = tpu.vector_load %arg11[%get3A_220, %get3A_221] {strides = array<i32>} : memref<128x128xf32, #tpu.memory_space<vmem>>, vector<16xf32>,
          %add3A_223 = arith.addf %get3A_219, %get3A_222 : vector<16xf32>
          %swap3A_224 = arith.index_cast %sub3A_166 : i32 to index
          %swap3A_225 = arith.constant 80 : index
          %swap3A_226 = tpu.vector_load %arg12[%swap3A_224, %swap3A_225] {strides = array<i32>} : memref<320x128xf32, #tpu.memory_space<vmem>>, vector<16xf32>,
          tpu.vector_store %arg12[%swap3A_224, %swap3A_225], %add3A_223 {strides = array<i32>} : memref<320x128xf32, #tpu.memory_space<vmem>>, vector<16xf32>,
          %get3A_227 = arith.index_cast %sub3A_166 : i32 to index
          %get3A_228 = arith.constant 96 : index
          %get3A_229 = tpu.vector_load %arg12[%get3A_227, %get3A_228] {strides = array<i32>} : memref<320x128xf32, #tpu.memory_space<vmem>>, vector<16xf32>,
          %get3A_230 = arith.index_cast %while3A_160 : i32 to index
          %get3A_231 = arith.constant 96 : index
          %get3A_232 = tpu.vector_load %arg11[%get3A_230, %get3A_231] {strides = array<i32>} : memref<128x128xf32, #tpu.memory_space<vmem>>, vector<16xf32>,
          %add3A_233 = arith.addf %get3A_229, %get3A_232 : vector<16xf32>
          %swap3A_234 = arith.index_cast %sub3A_166 : i32 to index
          %swap3A_235 = arith.constant 96 : index
          %swap3A_236 = tpu.vector_load %arg12[%swap3A_234, %swap3A_235] {strides = array<i32>} : memref<320x128xf32, #tpu.memory_space<vmem>>, vector<16xf32>,
          tpu.vector_store %arg12[%swap3A_234, %swap3A_235], %add3A_233 {strides = array<i32>} : memref<320x128xf32, #tpu.memory_space<vmem>>, vector<16xf32>,
          %get3A_237 = arith.index_cast %sub3A_166 : i32 to index
          %get3A_238 = arith.constant 112 : index
          %get3A_239 = tpu.vector_load %arg12[%get3A_237, %get3A_238] {strides = array<i32>} : memref<320x128xf32, #tpu.memory_space<vmem>>, vector<16xf32>,
          %get3A_240 = arith.index_cast %while3A_160 : i32 to index
          %get3A_241 = arith.constant 112 : index
          %get3A_242 = tpu.vector_load %arg11[%get3A_240, %get3A_241] {strides = array<i32>} : memref<128x128xf32, #tpu.memory_space<vmem>>, vector<16xf32>,
          %add3A_243 = arith.addf %get3A_239, %get3A_242 : vector<16xf32>
          %swap3A_244 = arith.index_cast %sub3A_166 : i32 to index
          %swap3A_245 = arith.constant 112 : index
          %swap3A_246 = tpu.vector_load %arg12[%swap3A_244, %swap3A_245] {strides = array<i32>} : memref<320x128xf32, #tpu.memory_space<vmem>>, vector<16xf32>,
          tpu.vector_store %arg12[%swap3A_244, %swap3A_245], %add3A_243 {strides = array<i32>} : memref<320x128xf32, #tpu.memory_space<vmem>>, vector<16xf32>,
          %get3A_247 = arith.index_cast %sub3A_166 : i32 to index
          %get3A_248 = tpu.vector_load %arg14[%get3A_247] {strides = array<i32>} : memref<336xf32, #tpu.memory_space<vmem>>, vector<16xf32>,
          %add3A_249 = arith.addf %get3A_248, %select_n3A : vector<16xf32>
          %swap3A_250 = arith.index_cast %sub3A_166 : i32 to index
          %swap3A_251 = tpu.vector_load %arg14[%swap3A_250] {strides = array<i32>} : memref<336xf32, #tpu.memory_space<vmem>>, vector<16xf32>,
          tpu.vector_store %arg14[%swap3A_250], %add3A_249 {strides = array<i32>} : memref<336xf32, #tpu.memory_space<vmem>>, vector<16xf32>,
          %while3A_252 = arith.constant 0 : i32
          scf.yield %while3A_252 : i32
        }
        %while3A_159 = arith.constant 0 : i32
        scf.yield %while3A_159 : i32
      }
      %scan3A_132 = arith.constant 0 : i32
      scf.yield %scan3A_132 : i32
    }
    %scan3A_30 = arith.constant 79 : i32
    "tpu.region"() ({
      %run_scoped3A = tpu.sem_alloc : memref<!tpu.dma_semaphore, #tpu.memory_space<semaphore_mem>>
      %dma_start3A = arith.constant 0 : i32
      %dma_start3A_31 = tpu.memref_slice %arg5[%mul3A_2, %dma_start3A] : memref<10240x128xf32, #tpu.memory_space<hbm>> -> memref<320x128xf32, #tpu.memory_space<hbm>>
      %dma_start3A_32 = arith.constant 0 : i32
      %dma_start3A_33 = tpu.memref_slice %arg5[%mul3A_2, %dma_start3A_32] : memref<10240x128xf32, #tpu.memory_space<hbm>> -> memref<320x128xf32, #tpu.memory_space<hbm>>
      tpu.enqueue_dma source(%arg12 : memref<320x128xf32, #tpu.memory_space<vmem>>) target(%dma_start3A_33 : memref<320x128xf32, #tpu.memory_space<hbm>>) target_semaphore(%run_scoped3A : memref<!tpu.dma_semaphore, #tpu.memory_space<semaphore_mem>>)
      %dma_wait3A = arith.constant 0 : i32
      %dma_wait3A_34 = tpu.memref_slice %arg5[%mul3A_2, %dma_wait3A] : memref<10240x128xf32, #tpu.memory_space<hbm>> -> memref<320x128xf32, #tpu.memory_space<hbm>>
      %dma_wait3A_35 = arith.constant 0 : i32
      %dma_wait3A_36 = tpu.memref_slice %arg5[%mul3A_2, %dma_wait3A_35] : memref<10240x128xf32, #tpu.memory_space<hbm>> -> memref<320x128xf32, #tpu.memory_space<hbm>>
      tpu.wait_dma2 semaphore(%run_scoped3A : memref<!tpu.dma_semaphore, #tpu.memory_space<semaphore_mem>>) src(%arg12 : memref<320x128xf32, #tpu.memory_space<vmem>>) dst(%dma_wait3A_36 : memref<320x128xf32, #tpu.memory_space<hbm>>)
      tpu.yield
    }) : () -> ()
    "tpu.region"() ({
      %run_scoped3A = tpu.sem_alloc : memref<!tpu.dma_semaphore, #tpu.memory_space<semaphore_mem>>
      %dma_start3A = arith.constant 0 : i32
      %dma_start3A_31 = tpu.memref_slice %arg14[%dma_start3A] : memref<336xf32, #tpu.memory_space<vmem>> -> memref<320xf32, #tpu.memory_space<vmem>>
      %dma_start3A_32 = tpu.memref_slice %arg6[%mul3A_2] : memref<10240xf32, #tpu.memory_space<hbm>> -> memref<320xf32, #tpu.memory_space<hbm>>
      %dma_start3A_33 = tpu.memref_slice %arg6[%mul3A_2] : memref<10240xf32, #tpu.memory_space<hbm>> -> memref<320xf32, #tpu.memory_space<hbm>>
      %dma_start3A_34 = arith.constant 0 : i32
      %dma_start3A_35 = tpu.memref_slice %arg14[%dma_start3A_34] : memref<336xf32, #tpu.memory_space<vmem>> -> memref<320xf32, #tpu.memory_space<vmem>>
      tpu.enqueue_dma source(%dma_start3A_35 : memref<320xf32, #tpu.memory_space<vmem>>) target(%dma_start3A_33 : memref<320xf32, #tpu.memory_space<hbm>>) target_semaphore(%run_scoped3A : memref<!tpu.dma_semaphore, #tpu.memory_space<semaphore_mem>>)
      %dma_wait3A = arith.constant 0 : i32
      %dma_wait3A_36 = tpu.memref_slice %arg14[%dma_wait3A] : memref<336xf32, #tpu.memory_space<vmem>> -> memref<320xf32, #tpu.memory_space<vmem>>
      %dma_wait3A_37 = tpu.memref_slice %arg6[%mul3A_2] : memref<10240xf32, #tpu.memory_space<hbm>> -> memref<320xf32, #tpu.memory_space<hbm>>
      %dma_wait3A_38 = tpu.memref_slice %arg6[%mul3A_2] : memref<10240xf32, #tpu.memory_space<hbm>> -> memref<320xf32, #tpu.memory_space<hbm>>
      %dma_wait3A_39 = arith.constant 0 : i32
      %dma_wait3A_40 = tpu.memref_slice %arg14[%dma_wait3A_39] : memref<336xf32, #tpu.memory_space<vmem>> -> memref<320xf32, #tpu.memory_space<vmem>>
      tpu.wait_dma2 semaphore(%run_scoped3A : memref<!tpu.dma_semaphore, #tpu.memory_space<semaphore_mem>>) src(%dma_wait3A_40 : memref<320xf32, #tpu.memory_space<vmem>>) dst(%dma_wait3A_38 : memref<320xf32, #tpu.memory_space<hbm>>)
      tpu.yield
    }) : () -> ()
    return
  }
}

#map = affine_map<(d0, d1) -> (0, 0)>
#map1 = affine_map<(d0, d1) -> (0)>
module attributes {stable_mosaic.version = 14 : i64} {
  func.func @body(%arg0: i32, %arg1: i32, %arg2: memref<10000x128xf32, #tpu.memory_space<hbm>>, %arg3: memref<323584xi32, #tpu.memory_space<hbm>>, %arg4: memref<323584xi32, #tpu.memory_space<hbm>>, %arg5: memref<10240x128xf32, #tpu.memory_space<hbm>>, %arg6: memref<4096xi32, #tpu.memory_space<vmem>>, %arg7: memref<4096xi32, #tpu.memory_space<vmem>>, %arg8: memref<4224xi32, #tpu.memory_space<vmem>>, %arg9: memref<4240xi32, #tpu.memory_space<vmem>>, %arg10: memref<128x128xf32, #tpu.memory_space<vmem>>, %arg11: memref<320x128xf32, #tpu.memory_space<vmem>>, %arg12: memref<!tpu.dma_semaphore, #tpu.memory_space<semaphore_mem>>) attributes {dimension_semantics = [#tpu.dimension_semantics<core_parallel>, #tpu.dimension_semantics<subcore_parallel>], iteration_bounds = array<i64: 2, 16>, scalar_prefetch = 0 : i64, scratch_operands = 7 : i64, tpu.core_type = #tpu.core_type<sc_vector_subcore>, window_params = [{transform_indices = #map}, {transform_indices = #map1}, {transform_indices = #map1}, {transform_indices = #map}]} {
    %mul3A = arith.constant 16 : i32
    %mul3A_0 = arith.muli %arg0, %mul3A : i32
    %add3A = arith.addi %mul3A_0, %arg1 : i32
    %mul3A_1 = arith.constant 320 : i32
    %mul3A_2 = arith.muli %add3A, %mul3A_1 : i32
    %add3A_3 = arith.constant 320 : i32
    %add3A_4 = arith.addi %mul3A_2, %add3A_3 : i32
    %broadcast_in_dim3A = arith.constant 0.000000e+00 : f32
    %broadcast_in_dim3A_5 = vector.broadcast %broadcast_in_dim3A : f32 to vector<16xf32>
    %scan3A = arith.constant 0 : i32
    %scan3A_6 = arith.constant 0 : i32
    %scan3A_7 = arith.constant 320 : i32
    %scan3A_8 = arith.addi %scan3A_6, %scan3A_7 : i32
    %scan3A_9 = arith.constant 1 : i32
    %scan3A_10 = scf.for %scan3A_24 = %scan3A_6 to %scan3A_8 step %scan3A_9 iter_args(%scan3A_25 = %scan3A) -> (i32)  : i32 {
      %swap3A = arith.index_cast %scan3A_24 : i32 to index
      %swap3A_26 = arith.constant 0 : index
      %swap3A_27 = tpu.vector_load %arg11[%swap3A, %swap3A_26] {strides = array<i32>} : memref<320x128xf32, #tpu.memory_space<vmem>>, vector<16xf32>,
      tpu.vector_store %arg11[%swap3A, %swap3A_26], %broadcast_in_dim3A_5 {strides = array<i32>} : memref<320x128xf32, #tpu.memory_space<vmem>>, vector<16xf32>,
      %swap3A_28 = arith.index_cast %scan3A_24 : i32 to index
      %swap3A_29 = arith.constant 16 : index
      %swap3A_30 = tpu.vector_load %arg11[%swap3A_28, %swap3A_29] {strides = array<i32>} : memref<320x128xf32, #tpu.memory_space<vmem>>, vector<16xf32>,
      tpu.vector_store %arg11[%swap3A_28, %swap3A_29], %broadcast_in_dim3A_5 {strides = array<i32>} : memref<320x128xf32, #tpu.memory_space<vmem>>, vector<16xf32>,
      %swap3A_31 = arith.index_cast %scan3A_24 : i32 to index
      %swap3A_32 = arith.constant 32 : index
      %swap3A_33 = tpu.vector_load %arg11[%swap3A_31, %swap3A_32] {strides = array<i32>} : memref<320x128xf32, #tpu.memory_space<vmem>>, vector<16xf32>,
      tpu.vector_store %arg11[%swap3A_31, %swap3A_32], %broadcast_in_dim3A_5 {strides = array<i32>} : memref<320x128xf32, #tpu.memory_space<vmem>>, vector<16xf32>,
      %swap3A_34 = arith.index_cast %scan3A_24 : i32 to index
      %swap3A_35 = arith.constant 48 : index
      %swap3A_36 = tpu.vector_load %arg11[%swap3A_34, %swap3A_35] {strides = array<i32>} : memref<320x128xf32, #tpu.memory_space<vmem>>, vector<16xf32>,
      tpu.vector_store %arg11[%swap3A_34, %swap3A_35], %broadcast_in_dim3A_5 {strides = array<i32>} : memref<320x128xf32, #tpu.memory_space<vmem>>, vector<16xf32>,
      %swap3A_37 = arith.index_cast %scan3A_24 : i32 to index
      %swap3A_38 = arith.constant 64 : index
      %swap3A_39 = tpu.vector_load %arg11[%swap3A_37, %swap3A_38] {strides = array<i32>} : memref<320x128xf32, #tpu.memory_space<vmem>>, vector<16xf32>,
      tpu.vector_store %arg11[%swap3A_37, %swap3A_38], %broadcast_in_dim3A_5 {strides = array<i32>} : memref<320x128xf32, #tpu.memory_space<vmem>>, vector<16xf32>,
      %swap3A_40 = arith.index_cast %scan3A_24 : i32 to index
      %swap3A_41 = arith.constant 80 : index
      %swap3A_42 = tpu.vector_load %arg11[%swap3A_40, %swap3A_41] {strides = array<i32>} : memref<320x128xf32, #tpu.memory_space<vmem>>, vector<16xf32>,
      tpu.vector_store %arg11[%swap3A_40, %swap3A_41], %broadcast_in_dim3A_5 {strides = array<i32>} : memref<320x128xf32, #tpu.memory_space<vmem>>, vector<16xf32>,
      %swap3A_43 = arith.index_cast %scan3A_24 : i32 to index
      %swap3A_44 = arith.constant 96 : index
      %swap3A_45 = tpu.vector_load %arg11[%swap3A_43, %swap3A_44] {strides = array<i32>} : memref<320x128xf32, #tpu.memory_space<vmem>>, vector<16xf32>,
      tpu.vector_store %arg11[%swap3A_43, %swap3A_44], %broadcast_in_dim3A_5 {strides = array<i32>} : memref<320x128xf32, #tpu.memory_space<vmem>>, vector<16xf32>,
      %swap3A_46 = arith.index_cast %scan3A_24 : i32 to index
      %swap3A_47 = arith.constant 112 : index
      %swap3A_48 = tpu.vector_load %arg11[%swap3A_46, %swap3A_47] {strides = array<i32>} : memref<320x128xf32, #tpu.memory_space<vmem>>, vector<16xf32>,
      tpu.vector_store %arg11[%swap3A_46, %swap3A_47], %broadcast_in_dim3A_5 {strides = array<i32>} : memref<320x128xf32, #tpu.memory_space<vmem>>, vector<16xf32>,
      %scan3A_49 = arith.constant 0 : i32
      scf.yield %scan3A_49 : i32
    }
    %scan3A_11 = arith.constant 320 : i32
    %iota3A = tpu.iota {dimensions = array<i32: 0>} : vector<16xi32>
    %eq3A = arith.constant 0 : i32
    %eq3A_12 = vector.broadcast %eq3A : i32 to vector<16xi32>
    %eq3A_13 = arith.cmpi eq, %iota3A, %eq3A_12 : vector<16xi32>
    %jit3A = arith.constant 1.000000e+00 : f32
    %jit3A_14 = arith.constant 0.000000e+00 : f32
    %broadcast_in_dim3A_15 = vector.broadcast %jit3A : f32 to vector<16xf32>
    %broadcast_in_dim3A_16 = vector.broadcast %jit3A_14 : f32 to vector<16xf32>
    %select_n3A = arith.select %eq3A_13, %broadcast_in_dim3A_15, %broadcast_in_dim3A_16 : vector<16xi1>, vector<16xf32>
    %scan3A_17 = arith.constant 0 : i32
    %scan3A_18 = arith.constant 0 : i32
    %scan3A_19 = arith.constant 79 : i32
    %scan3A_20 = arith.addi %scan3A_18, %scan3A_19 : i32
    %scan3A_21 = arith.constant 1 : i32
    %scan3A_22 = scf.for %scan3A_24 = %scan3A_18 to %scan3A_20 step %scan3A_21 iter_args(%scan3A_25 = %scan3A_17) -> (i32)  : i32 {
      %mul3A_26 = arith.constant 4096 : i32
      %mul3A_27 = arith.muli %scan3A_24, %mul3A_26 : i32
      "tpu.region"() ({
        %run_scoped3A = tpu.sem_alloc : memref<!tpu.dma_semaphore, #tpu.memory_space<semaphore_mem>>
        %dma_start3A = tpu.memref_slice %arg3[%mul3A_27] : memref<323584xi32, #tpu.memory_space<hbm>> -> memref<4096xi32, #tpu.memory_space<hbm>>
        %dma_start3A_126 = tpu.memref_slice %arg3[%mul3A_27] : memref<323584xi32, #tpu.memory_space<hbm>> -> memref<4096xi32, #tpu.memory_space<hbm>>
        tpu.enqueue_dma source(%dma_start3A_126 : memref<4096xi32, #tpu.memory_space<hbm>>) target(%arg6 : memref<4096xi32, #tpu.memory_space<vmem>>) target_semaphore(%run_scoped3A : memref<!tpu.dma_semaphore, #tpu.memory_space<semaphore_mem>>)
        %dma_wait3A = tpu.memref_slice %arg3[%mul3A_27] : memref<323584xi32, #tpu.memory_space<hbm>> -> memref<4096xi32, #tpu.memory_space<hbm>>
        %dma_wait3A_127 = tpu.memref_slice %arg3[%mul3A_27] : memref<323584xi32, #tpu.memory_space<hbm>> -> memref<4096xi32, #tpu.memory_space<hbm>>
        tpu.wait_dma2 semaphore(%run_scoped3A : memref<!tpu.dma_semaphore, #tpu.memory_space<semaphore_mem>>) src(%dma_wait3A_127 : memref<4096xi32, #tpu.memory_space<hbm>>) dst(%arg6 : memref<4096xi32, #tpu.memory_space<vmem>>)
        tpu.yield
      }) : () -> ()
      %mul3A_28 = arith.constant 4096 : i32
      %mul3A_29 = arith.muli %scan3A_24, %mul3A_28 : i32
      "tpu.region"() ({
        %run_scoped3A = tpu.sem_alloc : memref<!tpu.dma_semaphore, #tpu.memory_space<semaphore_mem>>
        %dma_start3A = tpu.memref_slice %arg4[%mul3A_29] : memref<323584xi32, #tpu.memory_space<hbm>> -> memref<4096xi32, #tpu.memory_space<hbm>>
        %dma_start3A_126 = tpu.memref_slice %arg4[%mul3A_29] : memref<323584xi32, #tpu.memory_space<hbm>> -> memref<4096xi32, #tpu.memory_space<hbm>>
        tpu.enqueue_dma source(%dma_start3A_126 : memref<4096xi32, #tpu.memory_space<hbm>>) target(%arg7 : memref<4096xi32, #tpu.memory_space<vmem>>) target_semaphore(%run_scoped3A : memref<!tpu.dma_semaphore, #tpu.memory_space<semaphore_mem>>)
        %dma_wait3A = tpu.memref_slice %arg4[%mul3A_29] : memref<323584xi32, #tpu.memory_space<hbm>> -> memref<4096xi32, #tpu.memory_space<hbm>>
        %dma_wait3A_127 = tpu.memref_slice %arg4[%mul3A_29] : memref<323584xi32, #tpu.memory_space<hbm>> -> memref<4096xi32, #tpu.memory_space<hbm>>
        tpu.wait_dma2 semaphore(%run_scoped3A : memref<!tpu.dma_semaphore, #tpu.memory_space<semaphore_mem>>) src(%dma_wait3A_127 : memref<4096xi32, #tpu.memory_space<hbm>>) dst(%arg7 : memref<4096xi32, #tpu.memory_space<vmem>>)
        tpu.yield
      }) : () -> ()
      %scan3A_30 = arith.constant 0 : i32
      %scan3A_31 = arith.constant 0 : i32
      %scan3A_32 = arith.constant 256 : i32
      %scan3A_33 = arith.addi %scan3A_31, %scan3A_32 : i32
      %scan3A_34 = arith.constant 1 : i32
      %scan3A_35 = scf.for %scan3A_126 = %scan3A_31 to %scan3A_33 step %scan3A_34 iter_args(%scan3A_127 = %scan3A_30) -> (i32)  : i32 {
        %mul3A_128 = arith.constant 16 : i32
        %mul3A_129 = arith.muli %scan3A_126, %mul3A_128 : i32
        %get3A = arith.index_cast %mul3A_129 : i32 to index
        %get3A_130 = tpu.vector_load %arg7[%get3A] {strides = array<i32>} : memref<4096xi32, #tpu.memory_space<vmem>>, vector<16xi32>,
        %mul3A_131 = arith.constant 16 : i32
        %mul3A_132 = arith.muli %scan3A_126, %mul3A_131 : i32
        %get3A_133 = arith.index_cast %mul3A_132 : i32 to index
        %get3A_134 = tpu.vector_load %arg6[%get3A_133] {strides = array<i32>} : memref<4096xi32, #tpu.memory_space<vmem>>, vector<16xi32>,
        %ge3A = vector.broadcast %mul3A_2 : i32 to vector<16xi32>
        %ge3A_135 = arith.cmpi sge, %get3A_130, %ge3A : vector<16xi32>
        %lt3A = vector.broadcast %add3A_4 : i32 to vector<16xi32>
        %lt3A_136 = arith.cmpi slt, %get3A_130, %lt3A : vector<16xi32>
        %and3A_137 = arith.andi %ge3A_135, %lt3A_136 : vector<16xi1>
        %swap3A_138 = arith.index_cast %scan3A_127 : i32 to index
        %swap3A_139 = tpu.vector_load %arg9[%swap3A_138] masked %and3A_137 {strides = array<i32>} : memref<4240xi32, #tpu.memory_space<vmem>>, vector<16xi32>, vector<16xi1>
        tpu.vector_store %arg9[%swap3A_138], %get3A_130 masked %and3A_137 {strides = array<i32>} : memref<4240xi32, #tpu.memory_space<vmem>>, vector<16xi32>, vector<16xi1>
        %swap3A_140 = arith.index_cast %scan3A_127 : i32 to index
        %swap3A_141 = tpu.vector_load %arg8[%swap3A_140] masked %and3A_137 {strides = array<i32>} : memref<4224xi32, #tpu.memory_space<vmem>>, vector<16xi32>, vector<16xi1>
        tpu.vector_store %arg8[%swap3A_140], %get3A_134 masked %and3A_137 {strides = array<i32>} : memref<4224xi32, #tpu.memory_space<vmem>>, vector<16xi32>, vector<16xi1>
        %all_reduce_population_count3A = tpu.all_reduce %and3A_137 {dim = 0 : i64, kind = #tpu.reduction_kind<sum>} : vector<16xi1> -> vector<16xi32>
        %slice3A = vector.extract_strided_slice %all_reduce_population_count3A {offsets = [0], sizes = [1], strides = [1]} : vector<16xi32> to vector<1xi32>
        %squeeze3A = vector.extract %slice3A[0] : i32 from vector<1xi32>
        %add3A_142 = arith.addi %scan3A_127, %squeeze3A : i32
        scf.yield %add3A_142 : i32
      }
      %scan3A_36 = arith.constant 256 : i32
      %add3A_37 = arith.constant 0 : i32
      %add3A_38 = vector.broadcast %add3A_37 : i32 to vector<16xi32>
      %add3A_39 = arith.addi %iota3A, %add3A_38 : vector<16xi32>
      %add3A_40 = arith.constant 0 : i32
      %add3A_41 = arith.addi %scan3A_35, %add3A_40 : i32
      %swap3A = arith.index_cast %add3A_41 : i32 to index
      %swap3A_42 = tpu.vector_load %arg8[%swap3A] {strides = array<i32>} : memref<4224xi32, #tpu.memory_space<vmem>>, vector<16xi32>,
      tpu.vector_store %arg8[%swap3A], %add3A_39 {strides = array<i32>} : memref<4224xi32, #tpu.memory_space<vmem>>, vector<16xi32>,
      %add3A_43 = arith.constant 16 : i32
      %add3A_44 = vector.broadcast %add3A_43 : i32 to vector<16xi32>
      %add3A_45 = arith.addi %iota3A, %add3A_44 : vector<16xi32>
      %add3A_46 = arith.constant 16 : i32
      %add3A_47 = arith.addi %scan3A_35, %add3A_46 : i32
      %swap3A_48 = arith.index_cast %add3A_47 : i32 to index
      %swap3A_49 = tpu.vector_load %arg8[%swap3A_48] {strides = array<i32>} : memref<4224xi32, #tpu.memory_space<vmem>>, vector<16xi32>,
      tpu.vector_store %arg8[%swap3A_48], %add3A_45 {strides = array<i32>} : memref<4224xi32, #tpu.memory_space<vmem>>, vector<16xi32>,
      %add3A_50 = arith.constant 32 : i32
      %add3A_51 = vector.broadcast %add3A_50 : i32 to vector<16xi32>
      %add3A_52 = arith.addi %iota3A, %add3A_51 : vector<16xi32>
      %add3A_53 = arith.constant 32 : i32
      %add3A_54 = arith.addi %scan3A_35, %add3A_53 : i32
      %swap3A_55 = arith.index_cast %add3A_54 : i32 to index
      %swap3A_56 = tpu.vector_load %arg8[%swap3A_55] {strides = array<i32>} : memref<4224xi32, #tpu.memory_space<vmem>>, vector<16xi32>,
      tpu.vector_store %arg8[%swap3A_55], %add3A_52 {strides = array<i32>} : memref<4224xi32, #tpu.memory_space<vmem>>, vector<16xi32>,
      %add3A_57 = arith.constant 48 : i32
      %add3A_58 = vector.broadcast %add3A_57 : i32 to vector<16xi32>
      %add3A_59 = arith.addi %iota3A, %add3A_58 : vector<16xi32>
      %add3A_60 = arith.constant 48 : i32
      %add3A_61 = arith.addi %scan3A_35, %add3A_60 : i32
      %swap3A_62 = arith.index_cast %add3A_61 : i32 to index
      %swap3A_63 = tpu.vector_load %arg8[%swap3A_62] {strides = array<i32>} : memref<4224xi32, #tpu.memory_space<vmem>>, vector<16xi32>,
      tpu.vector_store %arg8[%swap3A_62], %add3A_59 {strides = array<i32>} : memref<4224xi32, #tpu.memory_space<vmem>>, vector<16xi32>,
      %add3A_64 = arith.constant 64 : i32
      %add3A_65 = vector.broadcast %add3A_64 : i32 to vector<16xi32>
      %add3A_66 = arith.addi %iota3A, %add3A_65 : vector<16xi32>
      %add3A_67 = arith.constant 64 : i32
      %add3A_68 = arith.addi %scan3A_35, %add3A_67 : i32
      %swap3A_69 = arith.index_cast %add3A_68 : i32 to index
      %swap3A_70 = tpu.vector_load %arg8[%swap3A_69] {strides = array<i32>} : memref<4224xi32, #tpu.memory_space<vmem>>, vector<16xi32>,
      tpu.vector_store %arg8[%swap3A_69], %add3A_66 {strides = array<i32>} : memref<4224xi32, #tpu.memory_space<vmem>>, vector<16xi32>,
      %add3A_71 = arith.constant 80 : i32
      %add3A_72 = vector.broadcast %add3A_71 : i32 to vector<16xi32>
      %add3A_73 = arith.addi %iota3A, %add3A_72 : vector<16xi32>
      %add3A_74 = arith.constant 80 : i32
      %add3A_75 = arith.addi %scan3A_35, %add3A_74 : i32
      %swap3A_76 = arith.index_cast %add3A_75 : i32 to index
      %swap3A_77 = tpu.vector_load %arg8[%swap3A_76] {strides = array<i32>} : memref<4224xi32, #tpu.memory_space<vmem>>, vector<16xi32>,
      tpu.vector_store %arg8[%swap3A_76], %add3A_73 {strides = array<i32>} : memref<4224xi32, #tpu.memory_space<vmem>>, vector<16xi32>,
      %add3A_78 = arith.constant 96 : i32
      %add3A_79 = vector.broadcast %add3A_78 : i32 to vector<16xi32>
      %add3A_80 = arith.addi %iota3A, %add3A_79 : vector<16xi32>
      %add3A_81 = arith.constant 96 : i32
      %add3A_82 = arith.addi %scan3A_35, %add3A_81 : i32
      %swap3A_83 = arith.index_cast %add3A_82 : i32 to index
      %swap3A_84 = tpu.vector_load %arg8[%swap3A_83] {strides = array<i32>} : memref<4224xi32, #tpu.memory_space<vmem>>, vector<16xi32>,
      tpu.vector_store %arg8[%swap3A_83], %add3A_80 {strides = array<i32>} : memref<4224xi32, #tpu.memory_space<vmem>>, vector<16xi32>,
      %add3A_85 = arith.constant 112 : i32
      %add3A_86 = vector.broadcast %add3A_85 : i32 to vector<16xi32>
      %add3A_87 = arith.addi %iota3A, %add3A_86 : vector<16xi32>
      %add3A_88 = arith.constant 112 : i32
      %add3A_89 = arith.addi %scan3A_35, %add3A_88 : i32
      %swap3A_90 = arith.index_cast %add3A_89 : i32 to index
      %swap3A_91 = tpu.vector_load %arg8[%swap3A_90] {strides = array<i32>} : memref<4224xi32, #tpu.memory_space<vmem>>, vector<16xi32>,
      tpu.vector_store %arg8[%swap3A_90], %add3A_87 {strides = array<i32>} : memref<4224xi32, #tpu.memory_space<vmem>>, vector<16xi32>,
      %add3A_92 = arith.constant 128 : i32
      %add3A_93 = arith.addi %scan3A_35, %add3A_92 : i32
      %sub3A = arith.constant 1 : i32
      %sub3A_94 = arith.subi %add3A_93, %sub3A : i32
      %jit3A_95 = arith.constant 128 : i32
      %div3A = arith.divsi %sub3A_94, %jit3A_95 : i32
      %sign3A = arith.constant 0 : i32
      %sign3A_96 = arith.cmpi sgt, %sub3A_94, %sign3A : i32
      %sign3A_97 = arith.extui %sign3A_96 : i1 to i32
      %sign3A_98 = arith.constant 0 : i32
      %sign3A_99 = arith.cmpi slt, %sub3A_94, %sign3A_98 : i32
      %sign3A_100 = arith.extui %sign3A_99 : i1 to i32
      %sign3A_101 = arith.subi %sign3A_97, %sign3A_100 : i32
      %sign3A_102 = arith.constant 0 : i32
      %sign3A_103 = arith.cmpi sgt, %jit3A_95, %sign3A_102 : i32
      %sign3A_104 = arith.extui %sign3A_103 : i1 to i32
      %sign3A_105 = arith.constant 0 : i32
      %sign3A_106 = arith.cmpi slt, %jit3A_95, %sign3A_105 : i32
      %sign3A_107 = arith.extui %sign3A_106 : i1 to i32
      %sign3A_108 = arith.subi %sign3A_104, %sign3A_107 : i32
      %ne3A = arith.cmpi ne, %sign3A_101, %sign3A_108 : i32
      %rem3A = arith.remsi %sub3A_94, %jit3A_95 : i32
      %ne3A_109 = arith.constant 0 : i32
      %ne3A_110 = arith.cmpi ne, %rem3A, %ne3A_109 : i32
      %and3A = arith.andi %ne3A, %ne3A_110 : i1
      %sub3A_111 = arith.constant 1 : i32
      %sub3A_112 = arith.subi %div3A, %sub3A_111 : i32
      %select_n3A_113 = arith.select %and3A, %sub3A_112, %div3A : i32
      %while3A = arith.constant 0 : i32
      %while3A_114 = arith.constant 0 : i32
      %while3A_115 = arith.subi %select_n3A_113, %while3A : i32
      %while3A_116 = arith.addi %while3A, %while3A_115 : i32
      %while3A_117 = arith.constant 1 : i32
      %while3A_118 = arith.divsi %while3A_115, %while3A_117 : i32
      %while3A_119 = arith.muli %while3A_118, %while3A_117 : i32
      %while3A_120 = arith.addi %while3A, %while3A_119 : i32
      %while3A_121 = arith.constant 1 : i32
      %while3A_122 = scf.for %while3A_126 = %while3A to %while3A_120 step %while3A_121 iter_args(%while3A_127 = %while3A_114) -> (i32)  : i32 {
        %mul3A_128 = arith.constant 128 : i32
        %mul3A_129 = arith.muli %while3A_126, %mul3A_128 : i32
        %sub3A_130 = arith.subi %scan3A_35, %mul3A_129 : i32
        %min3A = arith.constant 128 : i32
        %min3A_131 = arith.minsi %sub3A_130, %min3A : i32
        %mul3A_132 = arith.constant 128 : i32
        %mul3A_133 = arith.muli %while3A_126, %mul3A_132 : i32
        %dma_start3A = tpu.memref_slice %arg8[%mul3A_133] : memref<4224xi32, #tpu.memory_space<vmem>> -> memref<128xi32, #tpu.memory_space<vmem>>
        %dma_start3A_134 = arith.constant 0 : i32
        %dma_start3A_135 = arith.constant 0 : i32
        %dma_start3A_136 = tpu.memref_slice %arg2[%dma_start3A_134, %dma_start3A_135] : memref<10000x128xf32, #tpu.memory_space<hbm>> -> memref<10000x128xf32, #tpu.memory_space<hbm>>
        tpu.enqueue_indirect_dma source(%dma_start3A_136 : memref<10000x128xf32, #tpu.memory_space<hbm>>) target(%arg10 : memref<128x128xf32, #tpu.memory_space<vmem>>) offsets(%dma_start3A : memref<128xi32, #tpu.memory_space<vmem>>) semaphore(%arg12 : memref<!tpu.dma_semaphore, #tpu.memory_space<semaphore_mem>>)
        %dma_wait3A = tpu.memref_slice %arg8[%mul3A_133] : memref<4224xi32, #tpu.memory_space<vmem>> -> memref<128xi32, #tpu.memory_space<vmem>>
        %dma_wait3A_137 = arith.constant 0 : i32
        %dma_wait3A_138 = arith.constant 0 : i32
        %dma_wait3A_139 = tpu.memref_slice %arg2[%dma_wait3A_137, %dma_wait3A_138] : memref<10000x128xf32, #tpu.memory_space<hbm>> -> memref<10000x128xf32, #tpu.memory_space<hbm>>
        tpu.wait_indirect_dma semaphore(%arg12 : memref<!tpu.dma_semaphore, #tpu.memory_space<semaphore_mem>>) src(%dma_wait3A_139 : memref<10000x128xf32, #tpu.memory_space<hbm>>) dst(%arg10 : memref<128x128xf32, #tpu.memory_space<vmem>>)
        %while3A_140 = arith.constant 0 : i32
        %while3A_141 = arith.constant 0 : i32
        %while3A_142 = arith.subi %min3A_131, %while3A_140 : i32
        %while3A_143 = arith.addi %while3A_140, %while3A_142 : i32
        %while3A_144 = arith.constant 1 : i32
        %while3A_145 = arith.divsi %while3A_142, %while3A_144 : i32
        %while3A_146 = arith.muli %while3A_145, %while3A_144 : i32
        %while3A_147 = arith.addi %while3A_140, %while3A_146 : i32
        %while3A_148 = arith.constant 1 : i32
        %while3A_149 = scf.for %while3A_153 = %while3A_140 to %while3A_147 step %while3A_148 iter_args(%while3A_154 = %while3A_141) -> (i32)  : i32 {
          %mul3A_155 = arith.constant 128 : i32
          %mul3A_156 = arith.muli %while3A_126, %mul3A_155 : i32
          %add3A_157 = arith.addi %mul3A_156, %while3A_153 : i32
          %get3A = arith.index_cast %add3A_157 : i32 to index
          %get3A_158 = tpu.vector_load %arg9[%get3A] {strides = array<i32>} : memref<4240xi32, #tpu.memory_space<vmem>>, vector<16xi32>,
          %slice3A = vector.extract_strided_slice %get3A_158 {offsets = [0], sizes = [1], strides = [1]} : vector<16xi32> to vector<1xi32>
          %squeeze3A = vector.extract %slice3A[0] : i32 from vector<1xi32>
          %sub3A_159 = arith.subi %squeeze3A, %mul3A_2 : i32
          %get3A_160 = arith.index_cast %sub3A_159 : i32 to index
          %get3A_161 = arith.constant 0 : index
          %get3A_162 = tpu.vector_load %arg11[%get3A_160, %get3A_161] {strides = array<i32>} : memref<320x128xf32, #tpu.memory_space<vmem>>, vector<16xf32>,
          %get3A_163 = arith.index_cast %while3A_153 : i32 to index
          %get3A_164 = arith.constant 0 : index
          %get3A_165 = tpu.vector_load %arg10[%get3A_163, %get3A_164] {strides = array<i32>} : memref<128x128xf32, #tpu.memory_space<vmem>>, vector<16xf32>,
          %add3A_166 = arith.addf %get3A_162, %get3A_165 : vector<16xf32>
          %swap3A_167 = arith.index_cast %sub3A_159 : i32 to index
          %swap3A_168 = arith.constant 0 : index
          %swap3A_169 = tpu.vector_load %arg11[%swap3A_167, %swap3A_168] {strides = array<i32>} : memref<320x128xf32, #tpu.memory_space<vmem>>, vector<16xf32>,
          tpu.vector_store %arg11[%swap3A_167, %swap3A_168], %add3A_166 {strides = array<i32>} : memref<320x128xf32, #tpu.memory_space<vmem>>, vector<16xf32>,
          %get3A_170 = arith.index_cast %sub3A_159 : i32 to index
          %get3A_171 = arith.constant 16 : index
          %get3A_172 = tpu.vector_load %arg11[%get3A_170, %get3A_171] {strides = array<i32>} : memref<320x128xf32, #tpu.memory_space<vmem>>, vector<16xf32>,
          %get3A_173 = arith.index_cast %while3A_153 : i32 to index
          %get3A_174 = arith.constant 16 : index
          %get3A_175 = tpu.vector_load %arg10[%get3A_173, %get3A_174] {strides = array<i32>} : memref<128x128xf32, #tpu.memory_space<vmem>>, vector<16xf32>,
          %add3A_176 = arith.addf %get3A_172, %get3A_175 : vector<16xf32>
          %swap3A_177 = arith.index_cast %sub3A_159 : i32 to index
          %swap3A_178 = arith.constant 16 : index
          %swap3A_179 = tpu.vector_load %arg11[%swap3A_177, %swap3A_178] {strides = array<i32>} : memref<320x128xf32, #tpu.memory_space<vmem>>, vector<16xf32>,
          tpu.vector_store %arg11[%swap3A_177, %swap3A_178], %add3A_176 {strides = array<i32>} : memref<320x128xf32, #tpu.memory_space<vmem>>, vector<16xf32>,
          %get3A_180 = arith.index_cast %sub3A_159 : i32 to index
          %get3A_181 = arith.constant 32 : index
          %get3A_182 = tpu.vector_load %arg11[%get3A_180, %get3A_181] {strides = array<i32>} : memref<320x128xf32, #tpu.memory_space<vmem>>, vector<16xf32>,
          %get3A_183 = arith.index_cast %while3A_153 : i32 to index
          %get3A_184 = arith.constant 32 : index
          %get3A_185 = tpu.vector_load %arg10[%get3A_183, %get3A_184] {strides = array<i32>} : memref<128x128xf32, #tpu.memory_space<vmem>>, vector<16xf32>,
          %add3A_186 = arith.addf %get3A_182, %get3A_185 : vector<16xf32>
          %swap3A_187 = arith.index_cast %sub3A_159 : i32 to index
          %swap3A_188 = arith.constant 32 : index
          %swap3A_189 = tpu.vector_load %arg11[%swap3A_187, %swap3A_188] {strides = array<i32>} : memref<320x128xf32, #tpu.memory_space<vmem>>, vector<16xf32>,
          tpu.vector_store %arg11[%swap3A_187, %swap3A_188], %add3A_186 {strides = array<i32>} : memref<320x128xf32, #tpu.memory_space<vmem>>, vector<16xf32>,
          %get3A_190 = arith.index_cast %sub3A_159 : i32 to index
          %get3A_191 = arith.constant 48 : index
          %get3A_192 = tpu.vector_load %arg11[%get3A_190, %get3A_191] {strides = array<i32>} : memref<320x128xf32, #tpu.memory_space<vmem>>, vector<16xf32>,
          %get3A_193 = arith.index_cast %while3A_153 : i32 to index
          %get3A_194 = arith.constant 48 : index
          %get3A_195 = tpu.vector_load %arg10[%get3A_193, %get3A_194] {strides = array<i32>} : memref<128x128xf32, #tpu.memory_space<vmem>>, vector<16xf32>,
          %add3A_196 = arith.addf %get3A_192, %get3A_195 : vector<16xf32>
          %swap3A_197 = arith.index_cast %sub3A_159 : i32 to index
          %swap3A_198 = arith.constant 48 : index
          %swap3A_199 = tpu.vector_load %arg11[%swap3A_197, %swap3A_198] {strides = array<i32>} : memref<320x128xf32, #tpu.memory_space<vmem>>, vector<16xf32>,
          tpu.vector_store %arg11[%swap3A_197, %swap3A_198], %add3A_196 {strides = array<i32>} : memref<320x128xf32, #tpu.memory_space<vmem>>, vector<16xf32>,
          %get3A_200 = arith.index_cast %sub3A_159 : i32 to index
          %get3A_201 = arith.constant 64 : index
          %get3A_202 = tpu.vector_load %arg11[%get3A_200, %get3A_201] {strides = array<i32>} : memref<320x128xf32, #tpu.memory_space<vmem>>, vector<16xf32>,
          %get3A_203 = arith.index_cast %while3A_153 : i32 to index
          %get3A_204 = arith.constant 64 : index
          %get3A_205 = tpu.vector_load %arg10[%get3A_203, %get3A_204] {strides = array<i32>} : memref<128x128xf32, #tpu.memory_space<vmem>>, vector<16xf32>,
          %add3A_206 = arith.addf %get3A_202, %get3A_205 : vector<16xf32>
          %swap3A_207 = arith.index_cast %sub3A_159 : i32 to index
          %swap3A_208 = arith.constant 64 : index
          %swap3A_209 = tpu.vector_load %arg11[%swap3A_207, %swap3A_208] {strides = array<i32>} : memref<320x128xf32, #tpu.memory_space<vmem>>, vector<16xf32>,
          tpu.vector_store %arg11[%swap3A_207, %swap3A_208], %add3A_206 {strides = array<i32>} : memref<320x128xf32, #tpu.memory_space<vmem>>, vector<16xf32>,
          %get3A_210 = arith.index_cast %sub3A_159 : i32 to index
          %get3A_211 = arith.constant 80 : index
          %get3A_212 = tpu.vector_load %arg11[%get3A_210, %get3A_211] {strides = array<i32>} : memref<320x128xf32, #tpu.memory_space<vmem>>, vector<16xf32>,
          %get3A_213 = arith.index_cast %while3A_153 : i32 to index
          %get3A_214 = arith.constant 80 : index
          %get3A_215 = tpu.vector_load %arg10[%get3A_213, %get3A_214] {strides = array<i32>} : memref<128x128xf32, #tpu.memory_space<vmem>>, vector<16xf32>,
          %add3A_216 = arith.addf %get3A_212, %get3A_215 : vector<16xf32>
          %swap3A_217 = arith.index_cast %sub3A_159 : i32 to index
          %swap3A_218 = arith.constant 80 : index
          %swap3A_219 = tpu.vector_load %arg11[%swap3A_217, %swap3A_218] {strides = array<i32>} : memref<320x128xf32, #tpu.memory_space<vmem>>, vector<16xf32>,
          tpu.vector_store %arg11[%swap3A_217, %swap3A_218], %add3A_216 {strides = array<i32>} : memref<320x128xf32, #tpu.memory_space<vmem>>, vector<16xf32>,
          %get3A_220 = arith.index_cast %sub3A_159 : i32 to index
          %get3A_221 = arith.constant 96 : index
          %get3A_222 = tpu.vector_load %arg11[%get3A_220, %get3A_221] {strides = array<i32>} : memref<320x128xf32, #tpu.memory_space<vmem>>, vector<16xf32>,
          %get3A_223 = arith.index_cast %while3A_153 : i32 to index
          %get3A_224 = arith.constant 96 : index
          %get3A_225 = tpu.vector_load %arg10[%get3A_223, %get3A_224] {strides = array<i32>} : memref<128x128xf32, #tpu.memory_space<vmem>>, vector<16xf32>,
          %add3A_226 = arith.addf %get3A_222, %get3A_225 : vector<16xf32>
          %swap3A_227 = arith.index_cast %sub3A_159 : i32 to index
          %swap3A_228 = arith.constant 96 : index
          %swap3A_229 = tpu.vector_load %arg11[%swap3A_227, %swap3A_228] {strides = array<i32>} : memref<320x128xf32, #tpu.memory_space<vmem>>, vector<16xf32>,
          tpu.vector_store %arg11[%swap3A_227, %swap3A_228], %add3A_226 {strides = array<i32>} : memref<320x128xf32, #tpu.memory_space<vmem>>, vector<16xf32>,
          %get3A_230 = arith.index_cast %sub3A_159 : i32 to index
          %get3A_231 = arith.constant 112 : index
          %get3A_232 = tpu.vector_load %arg11[%get3A_230, %get3A_231] {strides = array<i32>} : memref<320x128xf32, #tpu.memory_space<vmem>>, vector<16xf32>,
          %get3A_233 = arith.index_cast %while3A_153 : i32 to index
          %get3A_234 = arith.constant 112 : index
          %get3A_235 = tpu.vector_load %arg10[%get3A_233, %get3A_234] {strides = array<i32>} : memref<128x128xf32, #tpu.memory_space<vmem>>, vector<16xf32>,
          %add3A_236 = arith.addf %get3A_232, %get3A_235 : vector<16xf32>
          %swap3A_237 = arith.index_cast %sub3A_159 : i32 to index
          %swap3A_238 = arith.constant 112 : index
          %swap3A_239 = tpu.vector_load %arg11[%swap3A_237, %swap3A_238] {strides = array<i32>} : memref<320x128xf32, #tpu.memory_space<vmem>>, vector<16xf32>,
          tpu.vector_store %arg11[%swap3A_237, %swap3A_238], %add3A_236 {strides = array<i32>} : memref<320x128xf32, #tpu.memory_space<vmem>>, vector<16xf32>,
          %while3A_240 = arith.constant 0 : i32
          scf.yield %while3A_240 : i32
        }
        %while3A_150 = arith.constant 1 : i32
        %while3A_151 = scf.for %while3A_153 = %while3A_147 to %while3A_143 step %while3A_150 iter_args(%while3A_154 = %while3A_149) -> (i32)  : i32 {
          %mul3A_155 = arith.constant 128 : i32
          %mul3A_156 = arith.muli %while3A_126, %mul3A_155 : i32
          %add3A_157 = arith.addi %mul3A_156, %while3A_153 : i32
          %get3A = arith.index_cast %add3A_157 : i32 to index
          %get3A_158 = tpu.vector_load %arg9[%get3A] {strides = array<i32>} : memref<4240xi32, #tpu.memory_space<vmem>>, vector<16xi32>,
          %slice3A = vector.extract_strided_slice %get3A_158 {offsets = [0], sizes = [1], strides = [1]} : vector<16xi32> to vector<1xi32>
          %squeeze3A = vector.extract %slice3A[0] : i32 from vector<1xi32>
          %sub3A_159 = arith.subi %squeeze3A, %mul3A_2 : i32
          %get3A_160 = arith.index_cast %sub3A_159 : i32 to index
          %get3A_161 = arith.constant 0 : index
          %get3A_162 = tpu.vector_load %arg11[%get3A_160, %get3A_161] {strides = array<i32>} : memref<320x128xf32, #tpu.memory_space<vmem>>, vector<16xf32>,
          %get3A_163 = arith.index_cast %while3A_153 : i32 to index
          %get3A_164 = arith.constant 0 : index
          %get3A_165 = tpu.vector_load %arg10[%get3A_163, %get3A_164] {strides = array<i32>} : memref<128x128xf32, #tpu.memory_space<vmem>>, vector<16xf32>,
          %add3A_166 = arith.addf %get3A_162, %get3A_165 : vector<16xf32>
          %swap3A_167 = arith.index_cast %sub3A_159 : i32 to index
          %swap3A_168 = arith.constant 0 : index
          %swap3A_169 = tpu.vector_load %arg11[%swap3A_167, %swap3A_168] {strides = array<i32>} : memref<320x128xf32, #tpu.memory_space<vmem>>, vector<16xf32>,
          tpu.vector_store %arg11[%swap3A_167, %swap3A_168], %add3A_166 {strides = array<i32>} : memref<320x128xf32, #tpu.memory_space<vmem>>, vector<16xf32>,
          %get3A_170 = arith.index_cast %sub3A_159 : i32 to index
          %get3A_171 = arith.constant 16 : index
          %get3A_172 = tpu.vector_load %arg11[%get3A_170, %get3A_171] {strides = array<i32>} : memref<320x128xf32, #tpu.memory_space<vmem>>, vector<16xf32>,
          %get3A_173 = arith.index_cast %while3A_153 : i32 to index
          %get3A_174 = arith.constant 16 : index
          %get3A_175 = tpu.vector_load %arg10[%get3A_173, %get3A_174] {strides = array<i32>} : memref<128x128xf32, #tpu.memory_space<vmem>>, vector<16xf32>,
          %add3A_176 = arith.addf %get3A_172, %get3A_175 : vector<16xf32>
          %swap3A_177 = arith.index_cast %sub3A_159 : i32 to index
          %swap3A_178 = arith.constant 16 : index
          %swap3A_179 = tpu.vector_load %arg11[%swap3A_177, %swap3A_178] {strides = array<i32>} : memref<320x128xf32, #tpu.memory_space<vmem>>, vector<16xf32>,
          tpu.vector_store %arg11[%swap3A_177, %swap3A_178], %add3A_176 {strides = array<i32>} : memref<320x128xf32, #tpu.memory_space<vmem>>, vector<16xf32>,
          %get3A_180 = arith.index_cast %sub3A_159 : i32 to index
          %get3A_181 = arith.constant 32 : index
          %get3A_182 = tpu.vector_load %arg11[%get3A_180, %get3A_181] {strides = array<i32>} : memref<320x128xf32, #tpu.memory_space<vmem>>, vector<16xf32>,
          %get3A_183 = arith.index_cast %while3A_153 : i32 to index
          %get3A_184 = arith.constant 32 : index
          %get3A_185 = tpu.vector_load %arg10[%get3A_183, %get3A_184] {strides = array<i32>} : memref<128x128xf32, #tpu.memory_space<vmem>>, vector<16xf32>,
          %add3A_186 = arith.addf %get3A_182, %get3A_185 : vector<16xf32>
          %swap3A_187 = arith.index_cast %sub3A_159 : i32 to index
          %swap3A_188 = arith.constant 32 : index
          %swap3A_189 = tpu.vector_load %arg11[%swap3A_187, %swap3A_188] {strides = array<i32>} : memref<320x128xf32, #tpu.memory_space<vmem>>, vector<16xf32>,
          tpu.vector_store %arg11[%swap3A_187, %swap3A_188], %add3A_186 {strides = array<i32>} : memref<320x128xf32, #tpu.memory_space<vmem>>, vector<16xf32>,
          %get3A_190 = arith.index_cast %sub3A_159 : i32 to index
          %get3A_191 = arith.constant 48 : index
          %get3A_192 = tpu.vector_load %arg11[%get3A_190, %get3A_191] {strides = array<i32>} : memref<320x128xf32, #tpu.memory_space<vmem>>, vector<16xf32>,
          %get3A_193 = arith.index_cast %while3A_153 : i32 to index
          %get3A_194 = arith.constant 48 : index
          %get3A_195 = tpu.vector_load %arg10[%get3A_193, %get3A_194] {strides = array<i32>} : memref<128x128xf32, #tpu.memory_space<vmem>>, vector<16xf32>,
          %add3A_196 = arith.addf %get3A_192, %get3A_195 : vector<16xf32>
          %swap3A_197 = arith.index_cast %sub3A_159 : i32 to index
          %swap3A_198 = arith.constant 48 : index
          %swap3A_199 = tpu.vector_load %arg11[%swap3A_197, %swap3A_198] {strides = array<i32>} : memref<320x128xf32, #tpu.memory_space<vmem>>, vector<16xf32>,
          tpu.vector_store %arg11[%swap3A_197, %swap3A_198], %add3A_196 {strides = array<i32>} : memref<320x128xf32, #tpu.memory_space<vmem>>, vector<16xf32>,
          %get3A_200 = arith.index_cast %sub3A_159 : i32 to index
          %get3A_201 = arith.constant 64 : index
          %get3A_202 = tpu.vector_load %arg11[%get3A_200, %get3A_201] {strides = array<i32>} : memref<320x128xf32, #tpu.memory_space<vmem>>, vector<16xf32>,
          %get3A_203 = arith.index_cast %while3A_153 : i32 to index
          %get3A_204 = arith.constant 64 : index
          %get3A_205 = tpu.vector_load %arg10[%get3A_203, %get3A_204] {strides = array<i32>} : memref<128x128xf32, #tpu.memory_space<vmem>>, vector<16xf32>,
          %add3A_206 = arith.addf %get3A_202, %get3A_205 : vector<16xf32>
          %swap3A_207 = arith.index_cast %sub3A_159 : i32 to index
          %swap3A_208 = arith.constant 64 : index
          %swap3A_209 = tpu.vector_load %arg11[%swap3A_207, %swap3A_208] {strides = array<i32>} : memref<320x128xf32, #tpu.memory_space<vmem>>, vector<16xf32>,
          tpu.vector_store %arg11[%swap3A_207, %swap3A_208], %add3A_206 {strides = array<i32>} : memref<320x128xf32, #tpu.memory_space<vmem>>, vector<16xf32>,
          %get3A_210 = arith.index_cast %sub3A_159 : i32 to index
          %get3A_211 = arith.constant 80 : index
          %get3A_212 = tpu.vector_load %arg11[%get3A_210, %get3A_211] {strides = array<i32>} : memref<320x128xf32, #tpu.memory_space<vmem>>, vector<16xf32>,
          %get3A_213 = arith.index_cast %while3A_153 : i32 to index
          %get3A_214 = arith.constant 80 : index
          %get3A_215 = tpu.vector_load %arg10[%get3A_213, %get3A_214] {strides = array<i32>} : memref<128x128xf32, #tpu.memory_space<vmem>>, vector<16xf32>,
          %add3A_216 = arith.addf %get3A_212, %get3A_215 : vector<16xf32>
          %swap3A_217 = arith.index_cast %sub3A_159 : i32 to index
          %swap3A_218 = arith.constant 80 : index
          %swap3A_219 = tpu.vector_load %arg11[%swap3A_217, %swap3A_218] {strides = array<i32>} : memref<320x128xf32, #tpu.memory_space<vmem>>, vector<16xf32>,
          tpu.vector_store %arg11[%swap3A_217, %swap3A_218], %add3A_216 {strides = array<i32>} : memref<320x128xf32, #tpu.memory_space<vmem>>, vector<16xf32>,
          %get3A_220 = arith.index_cast %sub3A_159 : i32 to index
          %get3A_221 = arith.constant 96 : index
          %get3A_222 = tpu.vector_load %arg11[%get3A_220, %get3A_221] {strides = array<i32>} : memref<320x128xf32, #tpu.memory_space<vmem>>, vector<16xf32>,
          %get3A_223 = arith.index_cast %while3A_153 : i32 to index
          %get3A_224 = arith.constant 96 : index
          %get3A_225 = tpu.vector_load %arg10[%get3A_223, %get3A_224] {strides = array<i32>} : memref<128x128xf32, #tpu.memory_space<vmem>>, vector<16xf32>,
          %add3A_226 = arith.addf %get3A_222, %get3A_225 : vector<16xf32>
          %swap3A_227 = arith.index_cast %sub3A_159 : i32 to index
          %swap3A_228 = arith.constant 96 : index
          %swap3A_229 = tpu.vector_load %arg11[%swap3A_227, %swap3A_228] {strides = array<i32>} : memref<320x128xf32, #tpu.memory_space<vmem>>, vector<16xf32>,
          tpu.vector_store %arg11[%swap3A_227, %swap3A_228], %add3A_226 {strides = array<i32>} : memref<320x128xf32, #tpu.memory_space<vmem>>, vector<16xf32>,
          %get3A_230 = arith.index_cast %sub3A_159 : i32 to index
          %get3A_231 = arith.constant 112 : index
          %get3A_232 = tpu.vector_load %arg11[%get3A_230, %get3A_231] {strides = array<i32>} : memref<320x128xf32, #tpu.memory_space<vmem>>, vector<16xf32>,
          %get3A_233 = arith.index_cast %while3A_153 : i32 to index
          %get3A_234 = arith.constant 112 : index
          %get3A_235 = tpu.vector_load %arg10[%get3A_233, %get3A_234] {strides = array<i32>} : memref<128x128xf32, #tpu.memory_space<vmem>>, vector<16xf32>,
          %add3A_236 = arith.addf %get3A_232, %get3A_235 : vector<16xf32>
          %swap3A_237 = arith.index_cast %sub3A_159 : i32 to index
          %swap3A_238 = arith.constant 112 : index
          %swap3A_239 = tpu.vector_load %arg11[%swap3A_237, %swap3A_238] {strides = array<i32>} : memref<320x128xf32, #tpu.memory_space<vmem>>, vector<16xf32>,
          tpu.vector_store %arg11[%swap3A_237, %swap3A_238], %add3A_236 {strides = array<i32>} : memref<320x128xf32, #tpu.memory_space<vmem>>, vector<16xf32>,
          %while3A_240 = arith.constant 0 : i32
          scf.yield %while3A_240 : i32
        }
        %while3A_152 = arith.constant 0 : i32
        scf.yield %while3A_152 : i32
      }
      %while3A_123 = arith.constant 1 : i32
      %while3A_124 = scf.for %while3A_126 = %while3A_120 to %while3A_116 step %while3A_123 iter_args(%while3A_127 = %while3A_122) -> (i32)  : i32 {
        %mul3A_128 = arith.constant 128 : i32
        %mul3A_129 = arith.muli %while3A_126, %mul3A_128 : i32
        %sub3A_130 = arith.subi %scan3A_35, %mul3A_129 : i32
        %min3A = arith.constant 128 : i32
        %min3A_131 = arith.minsi %sub3A_130, %min3A : i32
        %mul3A_132 = arith.constant 128 : i32
        %mul3A_133 = arith.muli %while3A_126, %mul3A_132 : i32
        %dma_start3A = tpu.memref_slice %arg8[%mul3A_133] : memref<4224xi32, #tpu.memory_space<vmem>> -> memref<128xi32, #tpu.memory_space<vmem>>
        %dma_start3A_134 = arith.constant 0 : i32
        %dma_start3A_135 = arith.constant 0 : i32
        %dma_start3A_136 = tpu.memref_slice %arg2[%dma_start3A_134, %dma_start3A_135] : memref<10000x128xf32, #tpu.memory_space<hbm>> -> memref<10000x128xf32, #tpu.memory_space<hbm>>
        tpu.enqueue_indirect_dma source(%dma_start3A_136 : memref<10000x128xf32, #tpu.memory_space<hbm>>) target(%arg10 : memref<128x128xf32, #tpu.memory_space<vmem>>) offsets(%dma_start3A : memref<128xi32, #tpu.memory_space<vmem>>) semaphore(%arg12 : memref<!tpu.dma_semaphore, #tpu.memory_space<semaphore_mem>>)
        %dma_wait3A = tpu.memref_slice %arg8[%mul3A_133] : memref<4224xi32, #tpu.memory_space<vmem>> -> memref<128xi32, #tpu.memory_space<vmem>>
        %dma_wait3A_137 = arith.constant 0 : i32
        %dma_wait3A_138 = arith.constant 0 : i32
        %dma_wait3A_139 = tpu.memref_slice %arg2[%dma_wait3A_137, %dma_wait3A_138] : memref<10000x128xf32, #tpu.memory_space<hbm>> -> memref<10000x128xf32, #tpu.memory_space<hbm>>
        tpu.wait_indirect_dma semaphore(%arg12 : memref<!tpu.dma_semaphore, #tpu.memory_space<semaphore_mem>>) src(%dma_wait3A_139 : memref<10000x128xf32, #tpu.memory_space<hbm>>) dst(%arg10 : memref<128x128xf32, #tpu.memory_space<vmem>>)
        %while3A_140 = arith.constant 0 : i32
        %while3A_141 = arith.constant 0 : i32
        %while3A_142 = arith.subi %min3A_131, %while3A_140 : i32
        %while3A_143 = arith.addi %while3A_140, %while3A_142 : i32
        %while3A_144 = arith.constant 1 : i32
        %while3A_145 = arith.divsi %while3A_142, %while3A_144 : i32
        %while3A_146 = arith.muli %while3A_145, %while3A_144 : i32
        %while3A_147 = arith.addi %while3A_140, %while3A_146 : i32
        %while3A_148 = arith.constant 1 : i32
        %while3A_149 = scf.for %while3A_153 = %while3A_140 to %while3A_147 step %while3A_148 iter_args(%while3A_154 = %while3A_141) -> (i32)  : i32 {
          %mul3A_155 = arith.constant 128 : i32
          %mul3A_156 = arith.muli %while3A_126, %mul3A_155 : i32
          %add3A_157 = arith.addi %mul3A_156, %while3A_153 : i32
          %get3A = arith.index_cast %add3A_157 : i32 to index
          %get3A_158 = tpu.vector_load %arg9[%get3A] {strides = array<i32>} : memref<4240xi32, #tpu.memory_space<vmem>>, vector<16xi32>,
          %slice3A = vector.extract_strided_slice %get3A_158 {offsets = [0], sizes = [1], strides = [1]} : vector<16xi32> to vector<1xi32>
          %squeeze3A = vector.extract %slice3A[0] : i32 from vector<1xi32>
          %sub3A_159 = arith.subi %squeeze3A, %mul3A_2 : i32
          %get3A_160 = arith.index_cast %sub3A_159 : i32 to index
          %get3A_161 = arith.constant 0 : index
          %get3A_162 = tpu.vector_load %arg11[%get3A_160, %get3A_161] {strides = array<i32>} : memref<320x128xf32, #tpu.memory_space<vmem>>, vector<16xf32>,
          %get3A_163 = arith.index_cast %while3A_153 : i32 to index
          %get3A_164 = arith.constant 0 : index
          %get3A_165 = tpu.vector_load %arg10[%get3A_163, %get3A_164] {strides = array<i32>} : memref<128x128xf32, #tpu.memory_space<vmem>>, vector<16xf32>,
          %add3A_166 = arith.addf %get3A_162, %get3A_165 : vector<16xf32>
          %swap3A_167 = arith.index_cast %sub3A_159 : i32 to index
          %swap3A_168 = arith.constant 0 : index
          %swap3A_169 = tpu.vector_load %arg11[%swap3A_167, %swap3A_168] {strides = array<i32>} : memref<320x128xf32, #tpu.memory_space<vmem>>, vector<16xf32>,
          tpu.vector_store %arg11[%swap3A_167, %swap3A_168], %add3A_166 {strides = array<i32>} : memref<320x128xf32, #tpu.memory_space<vmem>>, vector<16xf32>,
          %get3A_170 = arith.index_cast %sub3A_159 : i32 to index
          %get3A_171 = arith.constant 16 : index
          %get3A_172 = tpu.vector_load %arg11[%get3A_170, %get3A_171] {strides = array<i32>} : memref<320x128xf32, #tpu.memory_space<vmem>>, vector<16xf32>,
          %get3A_173 = arith.index_cast %while3A_153 : i32 to index
          %get3A_174 = arith.constant 16 : index
          %get3A_175 = tpu.vector_load %arg10[%get3A_173, %get3A_174] {strides = array<i32>} : memref<128x128xf32, #tpu.memory_space<vmem>>, vector<16xf32>,
          %add3A_176 = arith.addf %get3A_172, %get3A_175 : vector<16xf32>
          %swap3A_177 = arith.index_cast %sub3A_159 : i32 to index
          %swap3A_178 = arith.constant 16 : index
          %swap3A_179 = tpu.vector_load %arg11[%swap3A_177, %swap3A_178] {strides = array<i32>} : memref<320x128xf32, #tpu.memory_space<vmem>>, vector<16xf32>,
          tpu.vector_store %arg11[%swap3A_177, %swap3A_178], %add3A_176 {strides = array<i32>} : memref<320x128xf32, #tpu.memory_space<vmem>>, vector<16xf32>,
          %get3A_180 = arith.index_cast %sub3A_159 : i32 to index
          %get3A_181 = arith.constant 32 : index
          %get3A_182 = tpu.vector_load %arg11[%get3A_180, %get3A_181] {strides = array<i32>} : memref<320x128xf32, #tpu.memory_space<vmem>>, vector<16xf32>,
          %get3A_183 = arith.index_cast %while3A_153 : i32 to index
          %get3A_184 = arith.constant 32 : index
          %get3A_185 = tpu.vector_load %arg10[%get3A_183, %get3A_184] {strides = array<i32>} : memref<128x128xf32, #tpu.memory_space<vmem>>, vector<16xf32>,
          %add3A_186 = arith.addf %get3A_182, %get3A_185 : vector<16xf32>
          %swap3A_187 = arith.index_cast %sub3A_159 : i32 to index
          %swap3A_188 = arith.constant 32 : index
          %swap3A_189 = tpu.vector_load %arg11[%swap3A_187, %swap3A_188] {strides = array<i32>} : memref<320x128xf32, #tpu.memory_space<vmem>>, vector<16xf32>,
          tpu.vector_store %arg11[%swap3A_187, %swap3A_188], %add3A_186 {strides = array<i32>} : memref<320x128xf32, #tpu.memory_space<vmem>>, vector<16xf32>,
          %get3A_190 = arith.index_cast %sub3A_159 : i32 to index
          %get3A_191 = arith.constant 48 : index
          %get3A_192 = tpu.vector_load %arg11[%get3A_190, %get3A_191] {strides = array<i32>} : memref<320x128xf32, #tpu.memory_space<vmem>>, vector<16xf32>,
          %get3A_193 = arith.index_cast %while3A_153 : i32 to index
          %get3A_194 = arith.constant 48 : index
          %get3A_195 = tpu.vector_load %arg10[%get3A_193, %get3A_194] {strides = array<i32>} : memref<128x128xf32, #tpu.memory_space<vmem>>, vector<16xf32>,
          %add3A_196 = arith.addf %get3A_192, %get3A_195 : vector<16xf32>
          %swap3A_197 = arith.index_cast %sub3A_159 : i32 to index
          %swap3A_198 = arith.constant 48 : index
          %swap3A_199 = tpu.vector_load %arg11[%swap3A_197, %swap3A_198] {strides = array<i32>} : memref<320x128xf32, #tpu.memory_space<vmem>>, vector<16xf32>,
          tpu.vector_store %arg11[%swap3A_197, %swap3A_198], %add3A_196 {strides = array<i32>} : memref<320x128xf32, #tpu.memory_space<vmem>>, vector<16xf32>,
          %get3A_200 = arith.index_cast %sub3A_159 : i32 to index
          %get3A_201 = arith.constant 64 : index
          %get3A_202 = tpu.vector_load %arg11[%get3A_200, %get3A_201] {strides = array<i32>} : memref<320x128xf32, #tpu.memory_space<vmem>>, vector<16xf32>,
          %get3A_203 = arith.index_cast %while3A_153 : i32 to index
          %get3A_204 = arith.constant 64 : index
          %get3A_205 = tpu.vector_load %arg10[%get3A_203, %get3A_204] {strides = array<i32>} : memref<128x128xf32, #tpu.memory_space<vmem>>, vector<16xf32>,
          %add3A_206 = arith.addf %get3A_202, %get3A_205 : vector<16xf32>
          %swap3A_207 = arith.index_cast %sub3A_159 : i32 to index
          %swap3A_208 = arith.constant 64 : index
          %swap3A_209 = tpu.vector_load %arg11[%swap3A_207, %swap3A_208] {strides = array<i32>} : memref<320x128xf32, #tpu.memory_space<vmem>>, vector<16xf32>,
          tpu.vector_store %arg11[%swap3A_207, %swap3A_208], %add3A_206 {strides = array<i32>} : memref<320x128xf32, #tpu.memory_space<vmem>>, vector<16xf32>,
          %get3A_210 = arith.index_cast %sub3A_159 : i32 to index
          %get3A_211 = arith.constant 80 : index
          %get3A_212 = tpu.vector_load %arg11[%get3A_210, %get3A_211] {strides = array<i32>} : memref<320x128xf32, #tpu.memory_space<vmem>>, vector<16xf32>,
          %get3A_213 = arith.index_cast %while3A_153 : i32 to index
          %get3A_214 = arith.constant 80 : index
          %get3A_215 = tpu.vector_load %arg10[%get3A_213, %get3A_214] {strides = array<i32>} : memref<128x128xf32, #tpu.memory_space<vmem>>, vector<16xf32>,
          %add3A_216 = arith.addf %get3A_212, %get3A_215 : vector<16xf32>
          %swap3A_217 = arith.index_cast %sub3A_159 : i32 to index
          %swap3A_218 = arith.constant 80 : index
          %swap3A_219 = tpu.vector_load %arg11[%swap3A_217, %swap3A_218] {strides = array<i32>} : memref<320x128xf32, #tpu.memory_space<vmem>>, vector<16xf32>,
          tpu.vector_store %arg11[%swap3A_217, %swap3A_218], %add3A_216 {strides = array<i32>} : memref<320x128xf32, #tpu.memory_space<vmem>>, vector<16xf32>,
          %get3A_220 = arith.index_cast %sub3A_159 : i32 to index
          %get3A_221 = arith.constant 96 : index
          %get3A_222 = tpu.vector_load %arg11[%get3A_220, %get3A_221] {strides = array<i32>} : memref<320x128xf32, #tpu.memory_space<vmem>>, vector<16xf32>,
          %get3A_223 = arith.index_cast %while3A_153 : i32 to index
          %get3A_224 = arith.constant 96 : index
          %get3A_225 = tpu.vector_load %arg10[%get3A_223, %get3A_224] {strides = array<i32>} : memref<128x128xf32, #tpu.memory_space<vmem>>, vector<16xf32>,
          %add3A_226 = arith.addf %get3A_222, %get3A_225 : vector<16xf32>
          %swap3A_227 = arith.index_cast %sub3A_159 : i32 to index
          %swap3A_228 = arith.constant 96 : index
          %swap3A_229 = tpu.vector_load %arg11[%swap3A_227, %swap3A_228] {strides = array<i32>} : memref<320x128xf32, #tpu.memory_space<vmem>>, vector<16xf32>,
          tpu.vector_store %arg11[%swap3A_227, %swap3A_228], %add3A_226 {strides = array<i32>} : memref<320x128xf32, #tpu.memory_space<vmem>>, vector<16xf32>,
          %get3A_230 = arith.index_cast %sub3A_159 : i32 to index
          %get3A_231 = arith.constant 112 : index
          %get3A_232 = tpu.vector_load %arg11[%get3A_230, %get3A_231] {strides = array<i32>} : memref<320x128xf32, #tpu.memory_space<vmem>>, vector<16xf32>,
          %get3A_233 = arith.index_cast %while3A_153 : i32 to index
          %get3A_234 = arith.constant 112 : index
          %get3A_235 = tpu.vector_load %arg10[%get3A_233, %get3A_234] {strides = array<i32>} : memref<128x128xf32, #tpu.memory_space<vmem>>, vector<16xf32>,
          %add3A_236 = arith.addf %get3A_232, %get3A_235 : vector<16xf32>
          %swap3A_237 = arith.index_cast %sub3A_159 : i32 to index
          %swap3A_238 = arith.constant 112 : index
          %swap3A_239 = tpu.vector_load %arg11[%swap3A_237, %swap3A_238] {strides = array<i32>} : memref<320x128xf32, #tpu.memory_space<vmem>>, vector<16xf32>,
          tpu.vector_store %arg11[%swap3A_237, %swap3A_238], %add3A_236 {strides = array<i32>} : memref<320x128xf32, #tpu.memory_space<vmem>>, vector<16xf32>,
          %while3A_240 = arith.constant 0 : i32
          scf.yield %while3A_240 : i32
        }
        %while3A_150 = arith.constant 1 : i32
        %while3A_151 = scf.for %while3A_153 = %while3A_147 to %while3A_143 step %while3A_150 iter_args(%while3A_154 = %while3A_149) -> (i32)  : i32 {
          %mul3A_155 = arith.constant 128 : i32
          %mul3A_156 = arith.muli %while3A_126, %mul3A_155 : i32
          %add3A_157 = arith.addi %mul3A_156, %while3A_153 : i32
          %get3A = arith.index_cast %add3A_157 : i32 to index
          %get3A_158 = tpu.vector_load %arg9[%get3A] {strides = array<i32>} : memref<4240xi32, #tpu.memory_space<vmem>>, vector<16xi32>,
          %slice3A = vector.extract_strided_slice %get3A_158 {offsets = [0], sizes = [1], strides = [1]} : vector<16xi32> to vector<1xi32>
          %squeeze3A = vector.extract %slice3A[0] : i32 from vector<1xi32>
          %sub3A_159 = arith.subi %squeeze3A, %mul3A_2 : i32
          %get3A_160 = arith.index_cast %sub3A_159 : i32 to index
          %get3A_161 = arith.constant 0 : index
          %get3A_162 = tpu.vector_load %arg11[%get3A_160, %get3A_161] {strides = array<i32>} : memref<320x128xf32, #tpu.memory_space<vmem>>, vector<16xf32>,
          %get3A_163 = arith.index_cast %while3A_153 : i32 to index
          %get3A_164 = arith.constant 0 : index
          %get3A_165 = tpu.vector_load %arg10[%get3A_163, %get3A_164] {strides = array<i32>} : memref<128x128xf32, #tpu.memory_space<vmem>>, vector<16xf32>,
          %add3A_166 = arith.addf %get3A_162, %get3A_165 : vector<16xf32>
          %swap3A_167 = arith.index_cast %sub3A_159 : i32 to index
          %swap3A_168 = arith.constant 0 : index
          %swap3A_169 = tpu.vector_load %arg11[%swap3A_167, %swap3A_168] {strides = array<i32>} : memref<320x128xf32, #tpu.memory_space<vmem>>, vector<16xf32>,
          tpu.vector_store %arg11[%swap3A_167, %swap3A_168], %add3A_166 {strides = array<i32>} : memref<320x128xf32, #tpu.memory_space<vmem>>, vector<16xf32>,
          %get3A_170 = arith.index_cast %sub3A_159 : i32 to index
          %get3A_171 = arith.constant 16 : index
          %get3A_172 = tpu.vector_load %arg11[%get3A_170, %get3A_171] {strides = array<i32>} : memref<320x128xf32, #tpu.memory_space<vmem>>, vector<16xf32>,
          %get3A_173 = arith.index_cast %while3A_153 : i32 to index
          %get3A_174 = arith.constant 16 : index
          %get3A_175 = tpu.vector_load %arg10[%get3A_173, %get3A_174] {strides = array<i32>} : memref<128x128xf32, #tpu.memory_space<vmem>>, vector<16xf32>,
          %add3A_176 = arith.addf %get3A_172, %get3A_175 : vector<16xf32>
          %swap3A_177 = arith.index_cast %sub3A_159 : i32 to index
          %swap3A_178 = arith.constant 16 : index
          %swap3A_179 = tpu.vector_load %arg11[%swap3A_177, %swap3A_178] {strides = array<i32>} : memref<320x128xf32, #tpu.memory_space<vmem>>, vector<16xf32>,
          tpu.vector_store %arg11[%swap3A_177, %swap3A_178], %add3A_176 {strides = array<i32>} : memref<320x128xf32, #tpu.memory_space<vmem>>, vector<16xf32>,
          %get3A_180 = arith.index_cast %sub3A_159 : i32 to index
          %get3A_181 = arith.constant 32 : index
          %get3A_182 = tpu.vector_load %arg11[%get3A_180, %get3A_181] {strides = array<i32>} : memref<320x128xf32, #tpu.memory_space<vmem>>, vector<16xf32>,
          %get3A_183 = arith.index_cast %while3A_153 : i32 to index
          %get3A_184 = arith.constant 32 : index
          %get3A_185 = tpu.vector_load %arg10[%get3A_183, %get3A_184] {strides = array<i32>} : memref<128x128xf32, #tpu.memory_space<vmem>>, vector<16xf32>,
          %add3A_186 = arith.addf %get3A_182, %get3A_185 : vector<16xf32>
          %swap3A_187 = arith.index_cast %sub3A_159 : i32 to index
          %swap3A_188 = arith.constant 32 : index
          %swap3A_189 = tpu.vector_load %arg11[%swap3A_187, %swap3A_188] {strides = array<i32>} : memref<320x128xf32, #tpu.memory_space<vmem>>, vector<16xf32>,
          tpu.vector_store %arg11[%swap3A_187, %swap3A_188], %add3A_186 {strides = array<i32>} : memref<320x128xf32, #tpu.memory_space<vmem>>, vector<16xf32>,
          %get3A_190 = arith.index_cast %sub3A_159 : i32 to index
          %get3A_191 = arith.constant 48 : index
          %get3A_192 = tpu.vector_load %arg11[%get3A_190, %get3A_191] {strides = array<i32>} : memref<320x128xf32, #tpu.memory_space<vmem>>, vector<16xf32>,
          %get3A_193 = arith.index_cast %while3A_153 : i32 to index
          %get3A_194 = arith.constant 48 : index
          %get3A_195 = tpu.vector_load %arg10[%get3A_193, %get3A_194] {strides = array<i32>} : memref<128x128xf32, #tpu.memory_space<vmem>>, vector<16xf32>,
          %add3A_196 = arith.addf %get3A_192, %get3A_195 : vector<16xf32>
          %swap3A_197 = arith.index_cast %sub3A_159 : i32 to index
          %swap3A_198 = arith.constant 48 : index
          %swap3A_199 = tpu.vector_load %arg11[%swap3A_197, %swap3A_198] {strides = array<i32>} : memref<320x128xf32, #tpu.memory_space<vmem>>, vector<16xf32>,
          tpu.vector_store %arg11[%swap3A_197, %swap3A_198], %add3A_196 {strides = array<i32>} : memref<320x128xf32, #tpu.memory_space<vmem>>, vector<16xf32>,
          %get3A_200 = arith.index_cast %sub3A_159 : i32 to index
          %get3A_201 = arith.constant 64 : index
          %get3A_202 = tpu.vector_load %arg11[%get3A_200, %get3A_201] {strides = array<i32>} : memref<320x128xf32, #tpu.memory_space<vmem>>, vector<16xf32>,
          %get3A_203 = arith.index_cast %while3A_153 : i32 to index
          %get3A_204 = arith.constant 64 : index
          %get3A_205 = tpu.vector_load %arg10[%get3A_203, %get3A_204] {strides = array<i32>} : memref<128x128xf32, #tpu.memory_space<vmem>>, vector<16xf32>,
          %add3A_206 = arith.addf %get3A_202, %get3A_205 : vector<16xf32>
          %swap3A_207 = arith.index_cast %sub3A_159 : i32 to index
          %swap3A_208 = arith.constant 64 : index
          %swap3A_209 = tpu.vector_load %arg11[%swap3A_207, %swap3A_208] {strides = array<i32>} : memref<320x128xf32, #tpu.memory_space<vmem>>, vector<16xf32>,
          tpu.vector_store %arg11[%swap3A_207, %swap3A_208], %add3A_206 {strides = array<i32>} : memref<320x128xf32, #tpu.memory_space<vmem>>, vector<16xf32>,
          %get3A_210 = arith.index_cast %sub3A_159 : i32 to index
          %get3A_211 = arith.constant 80 : index
          %get3A_212 = tpu.vector_load %arg11[%get3A_210, %get3A_211] {strides = array<i32>} : memref<320x128xf32, #tpu.memory_space<vmem>>, vector<16xf32>,
          %get3A_213 = arith.index_cast %while3A_153 : i32 to index
          %get3A_214 = arith.constant 80 : index
          %get3A_215 = tpu.vector_load %arg10[%get3A_213, %get3A_214] {strides = array<i32>} : memref<128x128xf32, #tpu.memory_space<vmem>>, vector<16xf32>,
          %add3A_216 = arith.addf %get3A_212, %get3A_215 : vector<16xf32>
          %swap3A_217 = arith.index_cast %sub3A_159 : i32 to index
          %swap3A_218 = arith.constant 80 : index
          %swap3A_219 = tpu.vector_load %arg11[%swap3A_217, %swap3A_218] {strides = array<i32>} : memref<320x128xf32, #tpu.memory_space<vmem>>, vector<16xf32>,
          tpu.vector_store %arg11[%swap3A_217, %swap3A_218], %add3A_216 {strides = array<i32>} : memref<320x128xf32, #tpu.memory_space<vmem>>, vector<16xf32>,
          %get3A_220 = arith.index_cast %sub3A_159 : i32 to index
          %get3A_221 = arith.constant 96 : index
          %get3A_222 = tpu.vector_load %arg11[%get3A_220, %get3A_221] {strides = array<i32>} : memref<320x128xf32, #tpu.memory_space<vmem>>, vector<16xf32>,
          %get3A_223 = arith.index_cast %while3A_153 : i32 to index
          %get3A_224 = arith.constant 96 : index
          %get3A_225 = tpu.vector_load %arg10[%get3A_223, %get3A_224] {strides = array<i32>} : memref<128x128xf32, #tpu.memory_space<vmem>>, vector<16xf32>,
          %add3A_226 = arith.addf %get3A_222, %get3A_225 : vector<16xf32>
          %swap3A_227 = arith.index_cast %sub3A_159 : i32 to index
          %swap3A_228 = arith.constant 96 : index
          %swap3A_229 = tpu.vector_load %arg11[%swap3A_227, %swap3A_228] {strides = array<i32>} : memref<320x128xf32, #tpu.memory_space<vmem>>, vector<16xf32>,
          tpu.vector_store %arg11[%swap3A_227, %swap3A_228], %add3A_226 {strides = array<i32>} : memref<320x128xf32, #tpu.memory_space<vmem>>, vector<16xf32>,
          %get3A_230 = arith.index_cast %sub3A_159 : i32 to index
          %get3A_231 = arith.constant 112 : index
          %get3A_232 = tpu.vector_load %arg11[%get3A_230, %get3A_231] {strides = array<i32>} : memref<320x128xf32, #tpu.memory_space<vmem>>, vector<16xf32>,
          %get3A_233 = arith.index_cast %while3A_153 : i32 to index
          %get3A_234 = arith.constant 112 : index
          %get3A_235 = tpu.vector_load %arg10[%get3A_233, %get3A_234] {strides = array<i32>} : memref<128x128xf32, #tpu.memory_space<vmem>>, vector<16xf32>,
          %add3A_236 = arith.addf %get3A_232, %get3A_235 : vector<16xf32>
          %swap3A_237 = arith.index_cast %sub3A_159 : i32 to index
          %swap3A_238 = arith.constant 112 : index
          %swap3A_239 = tpu.vector_load %arg11[%swap3A_237, %swap3A_238] {strides = array<i32>} : memref<320x128xf32, #tpu.memory_space<vmem>>, vector<16xf32>,
          tpu.vector_store %arg11[%swap3A_237, %swap3A_238], %add3A_236 {strides = array<i32>} : memref<320x128xf32, #tpu.memory_space<vmem>>, vector<16xf32>,
          %while3A_240 = arith.constant 0 : i32
          scf.yield %while3A_240 : i32
        }
        %while3A_152 = arith.constant 0 : i32
        scf.yield %while3A_152 : i32
      }
      %scan3A_125 = arith.constant 0 : i32
      scf.yield %scan3A_125 : i32
    }
    %scan3A_23 = arith.constant 79 : i32
    "tpu.region"() ({
      %run_scoped3A = tpu.sem_alloc : memref<!tpu.dma_semaphore, #tpu.memory_space<semaphore_mem>>
      %dma_start3A = arith.constant 0 : i32
      %dma_start3A_24 = tpu.memref_slice %arg5[%mul3A_2, %dma_start3A] : memref<10240x128xf32, #tpu.memory_space<hbm>> -> memref<320x128xf32, #tpu.memory_space<hbm>>
      %dma_start3A_25 = arith.constant 0 : i32
      %dma_start3A_26 = tpu.memref_slice %arg5[%mul3A_2, %dma_start3A_25] : memref<10240x128xf32, #tpu.memory_space<hbm>> -> memref<320x128xf32, #tpu.memory_space<hbm>>
      tpu.enqueue_dma source(%arg11 : memref<320x128xf32, #tpu.memory_space<vmem>>) target(%dma_start3A_26 : memref<320x128xf32, #tpu.memory_space<hbm>>) target_semaphore(%run_scoped3A : memref<!tpu.dma_semaphore, #tpu.memory_space<semaphore_mem>>)
      %dma_wait3A = arith.constant 0 : i32
      %dma_wait3A_27 = tpu.memref_slice %arg5[%mul3A_2, %dma_wait3A] : memref<10240x128xf32, #tpu.memory_space<hbm>> -> memref<320x128xf32, #tpu.memory_space<hbm>>
      %dma_wait3A_28 = arith.constant 0 : i32
      %dma_wait3A_29 = tpu.memref_slice %arg5[%mul3A_2, %dma_wait3A_28] : memref<10240x128xf32, #tpu.memory_space<hbm>> -> memref<320x128xf32, #tpu.memory_space<hbm>>
      tpu.wait_dma2 semaphore(%run_scoped3A : memref<!tpu.dma_semaphore, #tpu.memory_space<semaphore_mem>>) src(%arg11 : memref<320x128xf32, #tpu.memory_space<vmem>>) dst(%dma_wait3A_29 : memref<320x128xf32, #tpu.memory_space<hbm>>)
      tpu.yield
    }) : () -> ()
    return
  }
}

module attributes {stable_mosaic.version = 14 : i64} {
  func.func @_mm2_body(%arg0: i32, %arg1: memref<1280x128xf32, #tpu.memory_space<vmem>>, %arg2: memref<128x128xf32, #tpu.memory_space<vmem>>, %arg3: memref<128x128xf32, #tpu.memory_space<vmem>>, %arg4: memref<1280x128xf32, #tpu.memory_space<vmem>>, %arg5: memref<1280x128xf32, #tpu.memory_space<vmem>>) attributes {dimension_semantics = [#tpu.dimension_semantics<arbitrary>], iteration_bounds = array<i64: 8>, scalar_prefetch = 0 : i64, scratch_operands = 0 : i64, tpu.core_type = #tpu.core_type<tc>, window_params = [{transform_indices = @transform_0, window_bounds = array<i64: 1280, 128>}, {pipeline_mode = #tpu.pipeline_mode<synchronous>, transform_indices = @transform_1, window_bounds = array<i64: 128, 128>}, {pipeline_mode = #tpu.pipeline_mode<synchronous>, transform_indices = @transform_2, window_bounds = array<i64: 128, 128>}, {transform_indices = @transform_3, window_bounds = array<i64: 1280, 128>}, {transform_indices = @transform_4, window_bounds = array<i64: 1280, 128>}]} {
    %get3A = arith.constant 0 : index
    %get3A_0 = arith.constant 0 : index
    %get3A_1 = vector.load %arg1[%get3A, %get3A_0] : memref<1280x128xf32, #tpu.memory_space<vmem>>, vector<1280x128xf32>
    %get3A_2 = arith.constant 0 : index
    %get3A_3 = arith.constant 0 : index
    %get3A_4 = vector.load %arg2[%get3A_2, %get3A_3] : memref<128x128xf32, #tpu.memory_space<vmem>>, vector<128x128xf32>
    %dot_general3A = arith.constant dense<0.000000e+00> : vector<1280x128xf32>
    %dot_general3A_5 = tpu.matmul %get3A_1, %get3A_4, %dot_general3A {dimension_numbers = #tpu.dot_dimension_numbers<[1], [0], [0], [1], [0, 0, 1, 1], [], []>, transpose_lhs_hint = false} : vector<1280x128xf32>, vector<128x128xf32>, vector<1280x128xf32> -> vector<1280x128xf32>
    %swap3A = arith.constant 0 : index
    %swap3A_6 = arith.constant 0 : index
    %swap3A_7 = vector.load %arg4[%swap3A, %swap3A_6] : memref<1280x128xf32, #tpu.memory_space<vmem>>, vector<1280x128xf32>
    tpu.vector_store %arg4[%swap3A, %swap3A_6], %dot_general3A_5 {strides = array<i32>} : memref<1280x128xf32, #tpu.memory_space<vmem>>, vector<1280x128xf32>,
    %get3A_8 = arith.constant 0 : index
    %get3A_9 = arith.constant 0 : index
    %get3A_10 = vector.load %arg3[%get3A_8, %get3A_9] : memref<128x128xf32, #tpu.memory_space<vmem>>, vector<128x128xf32>
    %dot_general3A_11 = arith.constant dense<0.000000e+00> : vector<1280x128xf32>
    %dot_general3A_12 = tpu.matmul %get3A_1, %get3A_10, %dot_general3A_11 {dimension_numbers = #tpu.dot_dimension_numbers<[1], [0], [0], [1], [0, 0, 1, 1], [], []>, transpose_lhs_hint = false} : vector<1280x128xf32>, vector<128x128xf32>, vector<1280x128xf32> -> vector<1280x128xf32>
    %swap3A_13 = arith.constant 0 : index
    %swap3A_14 = arith.constant 0 : index
    %swap3A_15 = vector.load %arg5[%swap3A_13, %swap3A_14] : memref<1280x128xf32, #tpu.memory_space<vmem>>, vector<1280x128xf32>
    tpu.vector_store %arg5[%swap3A_13, %swap3A_14], %dot_general3A_12 {strides = array<i32>} : memref<1280x128xf32, #tpu.memory_space<vmem>>, vector<1280x128xf32>,
    return
  }
  func.func @transform_0(%arg0: i32) -> (i32, i32) {
    %c0_i32 = arith.constant 0 : i32
    %c0_i32_0 = arith.constant 0 : i32
    return %arg0, %c0_i32 : i32, i32
  }
  func.func @transform_1(%arg0: i32) -> (i32, i32) {
    %c0_i32 = arith.constant 0 : i32
    %c0_i32_0 = arith.constant 0 : i32
    %c0_i32_1 = arith.constant 0 : i32
    return %c0_i32, %c0_i32_0 : i32, i32
  }
  func.func @transform_2(%arg0: i32) -> (i32, i32) {
    %c0_i32 = arith.constant 0 : i32
    %c0_i32_0 = arith.constant 0 : i32
    %c0_i32_1 = arith.constant 0 : i32
    return %c0_i32, %c0_i32_0 : i32, i32
  }
  func.func @transform_3(%arg0: i32) -> (i32, i32) {
    %c0_i32 = arith.constant 0 : i32
    %c0_i32_0 = arith.constant 0 : i32
    return %arg0, %c0_i32 : i32, i32
  }
  func.func @transform_4(%arg0: i32) -> (i32, i32) {
    %c0_i32 = arith.constant 0 : i32
    %c0_i32_0 = arith.constant 0 : i32
    return %arg0, %c0_i32 : i32, i32
  }
}

module attributes {stable_mosaic.version = 14 : i64} {
  func.func @_mid_body(%arg0: i32, %arg1: memref<1280x128xf32, #tpu.memory_space<vmem>>, %arg2: memref<1280x128xf32, #tpu.memory_space<vmem>>, %arg3: memref<1280x1xf32, #tpu.memory_space<vmem>>, %arg4: memref<1x128xf32, #tpu.memory_space<vmem>>, %arg5: memref<128x128xf32, #tpu.memory_space<vmem>>, %arg6: memref<128x128xf32, #tpu.memory_space<vmem>>, %arg7: memref<1280x128xf32, #tpu.memory_space<vmem>>, %arg8: memref<1280x128xf32, #tpu.memory_space<vmem>>) attributes {dimension_semantics = [#tpu.dimension_semantics<arbitrary>], iteration_bounds = array<i64: 8>, scalar_prefetch = 0 : i64, scratch_operands = 0 : i64, tpu.core_type = #tpu.core_type<tc>, window_params = [{transform_indices = @transform_0, window_bounds = array<i64: 1280, 128>}, {transform_indices = @transform_1, window_bounds = array<i64: 1280, 128>}, {transform_indices = @transform_2, window_bounds = array<i64: 1280, 1>}, {pipeline_mode = #tpu.pipeline_mode<synchronous>, transform_indices = @transform_3, window_bounds = array<i64: 1, 128>}, {pipeline_mode = #tpu.pipeline_mode<synchronous>, transform_indices = @transform_4, window_bounds = array<i64: 128, 128>}, {pipeline_mode = #tpu.pipeline_mode<synchronous>, transform_indices = @transform_5, window_bounds = array<i64: 128, 128>}, {transform_indices = @transform_6, window_bounds = array<i64: 1280, 128>}, {transform_indices = @transform_7, window_bounds = array<i64: 1280, 128>}]} {
    %get3A = arith.constant 0 : index
    %get3A_0 = arith.constant 0 : index
    %get3A_1 = vector.load %arg3[%get3A, %get3A_0] : memref<1280x1xf32, #tpu.memory_space<vmem>>, vector<1280x1xf32>
    %max3A = arith.constant 1.000000e+00 : f32
    %max3A_2 = vector.broadcast %max3A : f32 to vector<1280x1xf32>
    %max3A_3 = arith.maximumf %get3A_1, %max3A_2 : vector<1280x1xf32>
    %div3A = arith.constant 1.000000e+00 : f32
    %div3A_4 = vector.broadcast %div3A : f32 to vector<1280x1xf32>
    %div3A_5 = arith.divf %div3A_4, %max3A_3 : vector<1280x1xf32>
    %get3A_6 = arith.constant 0 : index
    %get3A_7 = arith.constant 0 : index
    %get3A_8 = vector.load %arg1[%get3A_6, %get3A_7] : memref<1280x128xf32, #tpu.memory_space<vmem>>, vector<1280x128xf32>
    %get3A_9 = arith.constant 0 : index
    %get3A_10 = arith.constant 0 : index
    %get3A_11 = vector.load %arg2[%get3A_9, %get3A_10] : memref<1280x128xf32, #tpu.memory_space<vmem>>, vector<1280x128xf32>
    %mul3A = vector.broadcast %div3A_5 : vector<1280x1xf32> to vector<1280x128xf32>
    %mul3A_12 = arith.mulf %get3A_11, %mul3A : vector<1280x128xf32>
    %add3A = arith.addf %get3A_8, %mul3A_12 : vector<1280x128xf32>
    %get3A_13 = arith.constant 0 : index
    %get3A_14 = arith.constant 0 : index
    %get3A_15 = vector.load %arg4[%get3A_13, %get3A_14] : memref<1x128xf32, #tpu.memory_space<vmem>>, vector<1x128xf32>
    %add3A_16 = vector.broadcast %get3A_15 : vector<1x128xf32> to vector<1280x128xf32>
    %add3A_17 = arith.addf %add3A, %add3A_16 : vector<1280x128xf32>
    %max3A_18 = arith.constant 0.000000e+00 : f32
    %max3A_19 = vector.broadcast %max3A_18 : f32 to vector<1280x128xf32>
    %max3A_20 = arith.maximumf %add3A_17, %max3A_19 : vector<1280x128xf32>
    %get3A_21 = arith.constant 0 : index
    %get3A_22 = arith.constant 0 : index
    %get3A_23 = vector.load %arg5[%get3A_21, %get3A_22] : memref<128x128xf32, #tpu.memory_space<vmem>>, vector<128x128xf32>
    %dot_general3A = arith.constant dense<0.000000e+00> : vector<1280x128xf32>
    %dot_general3A_24 = tpu.matmul %max3A_20, %get3A_23, %dot_general3A {dimension_numbers = #tpu.dot_dimension_numbers<[1], [0], [0], [1], [0, 0, 1, 1], [], []>, transpose_lhs_hint = false} : vector<1280x128xf32>, vector<128x128xf32>, vector<1280x128xf32> -> vector<1280x128xf32>
    %swap3A = arith.constant 0 : index
    %swap3A_25 = arith.constant 0 : index
    %swap3A_26 = vector.load %arg7[%swap3A, %swap3A_25] : memref<1280x128xf32, #tpu.memory_space<vmem>>, vector<1280x128xf32>
    tpu.vector_store %arg7[%swap3A, %swap3A_25], %dot_general3A_24 {strides = array<i32>} : memref<1280x128xf32, #tpu.memory_space<vmem>>, vector<1280x128xf32>,
    %get3A_27 = arith.constant 0 : index
    %get3A_28 = arith.constant 0 : index
    %get3A_29 = vector.load %arg6[%get3A_27, %get3A_28] : memref<128x128xf32, #tpu.memory_space<vmem>>, vector<128x128xf32>
    %dot_general3A_30 = arith.constant dense<0.000000e+00> : vector<1280x128xf32>
    %dot_general3A_31 = tpu.matmul %max3A_20, %get3A_29, %dot_general3A_30 {dimension_numbers = #tpu.dot_dimension_numbers<[1], [0], [0], [1], [0, 0, 1, 1], [], []>, transpose_lhs_hint = false} : vector<1280x128xf32>, vector<128x128xf32>, vector<1280x128xf32> -> vector<1280x128xf32>
    %swap3A_32 = arith.constant 0 : index
    %swap3A_33 = arith.constant 0 : index
    %swap3A_34 = vector.load %arg8[%swap3A_32, %swap3A_33] : memref<1280x128xf32, #tpu.memory_space<vmem>>, vector<1280x128xf32>
    tpu.vector_store %arg8[%swap3A_32, %swap3A_33], %dot_general3A_31 {strides = array<i32>} : memref<1280x128xf32, #tpu.memory_space<vmem>>, vector<1280x128xf32>,
    return
  }
  func.func @transform_0(%arg0: i32) -> (i32, i32) {
    %c0_i32 = arith.constant 0 : i32
    %c0_i32_0 = arith.constant 0 : i32
    return %arg0, %c0_i32 : i32, i32
  }
  func.func @transform_1(%arg0: i32) -> (i32, i32) {
    %c0_i32 = arith.constant 0 : i32
    %c0_i32_0 = arith.constant 0 : i32
    return %arg0, %c0_i32 : i32, i32
  }
  func.func @transform_2(%arg0: i32) -> (i32, i32) {
    %c0_i32 = arith.constant 0 : i32
    %c0_i32_0 = arith.constant 0 : i32
    return %arg0, %c0_i32 : i32, i32
  }
  func.func @transform_3(%arg0: i32) -> (i32, i32) {
    %c0_i32 = arith.constant 0 : i32
    %c0_i32_0 = arith.constant 0 : i32
    %c0_i32_1 = arith.constant 0 : i32
    return %c0_i32, %c0_i32_0 : i32, i32
  }
  func.func @transform_4(%arg0: i32) -> (i32, i32) {
    %c0_i32 = arith.constant 0 : i32
    %c0_i32_0 = arith.constant 0 : i32
    %c0_i32_1 = arith.constant 0 : i32
    return %c0_i32, %c0_i32_0 : i32, i32
  }
  func.func @transform_5(%arg0: i32) -> (i32, i32) {
    %c0_i32 = arith.constant 0 : i32
    %c0_i32_0 = arith.constant 0 : i32
    %c0_i32_1 = arith.constant 0 : i32
    return %c0_i32, %c0_i32_0 : i32, i32
  }
  func.func @transform_6(%arg0: i32) -> (i32, i32) {
    %c0_i32 = arith.constant 0 : i32
    %c0_i32_0 = arith.constant 0 : i32
    return %arg0, %c0_i32 : i32, i32
  }
  func.func @transform_7(%arg0: i32) -> (i32, i32) {
    %c0_i32 = arith.constant 0 : i32
    %c0_i32_0 = arith.constant 0 : i32
    return %arg0, %c0_i32 : i32, i32
  }
}

module attributes {stable_mosaic.version = 14 : i64} {
  func.func @_fin_body(%arg0: i32, %arg1: memref<1280x128xf32, #tpu.memory_space<vmem>>, %arg2: memref<1280x128xf32, #tpu.memory_space<vmem>>, %arg3: memref<1280x1xf32, #tpu.memory_space<vmem>>, %arg4: memref<1x128xf32, #tpu.memory_space<vmem>>, %arg5: memref<1280x128xf32, #tpu.memory_space<vmem>>) attributes {dimension_semantics = [#tpu.dimension_semantics<arbitrary>], iteration_bounds = array<i64: 8>, scalar_prefetch = 0 : i64, scratch_operands = 0 : i64, tpu.core_type = #tpu.core_type<tc>, window_params = [{transform_indices = @transform_0, window_bounds = array<i64: 1280, 128>}, {transform_indices = @transform_1, window_bounds = array<i64: 1280, 128>}, {transform_indices = @transform_2, window_bounds = array<i64: 1280, 1>}, {pipeline_mode = #tpu.pipeline_mode<synchronous>, transform_indices = @transform_3, window_bounds = array<i64: 1, 128>}, {transform_indices = @transform_4, window_bounds = array<i64: 1280, 128>}]} {
    %get3A = arith.constant 0 : index
    %get3A_0 = arith.constant 0 : index
    %get3A_1 = vector.load %arg3[%get3A, %get3A_0] : memref<1280x1xf32, #tpu.memory_space<vmem>>, vector<1280x1xf32>
    %max3A = arith.constant 1.000000e+00 : f32
    %max3A_2 = vector.broadcast %max3A : f32 to vector<1280x1xf32>
    %max3A_3 = arith.maximumf %get3A_1, %max3A_2 : vector<1280x1xf32>
    %div3A = arith.constant 1.000000e+00 : f32
    %div3A_4 = vector.broadcast %div3A : f32 to vector<1280x1xf32>
    %div3A_5 = arith.divf %div3A_4, %max3A_3 : vector<1280x1xf32>
    %get3A_6 = arith.constant 0 : index
    %get3A_7 = arith.constant 0 : index
    %get3A_8 = vector.load %arg1[%get3A_6, %get3A_7] : memref<1280x128xf32, #tpu.memory_space<vmem>>, vector<1280x128xf32>
    %get3A_9 = arith.constant 0 : index
    %get3A_10 = arith.constant 0 : index
    %get3A_11 = vector.load %arg2[%get3A_9, %get3A_10] : memref<1280x128xf32, #tpu.memory_space<vmem>>, vector<1280x128xf32>
    %mul3A = vector.broadcast %div3A_5 : vector<1280x1xf32> to vector<1280x128xf32>
    %mul3A_12 = arith.mulf %get3A_11, %mul3A : vector<1280x128xf32>
    %add3A = arith.addf %get3A_8, %mul3A_12 : vector<1280x128xf32>
    %get3A_13 = arith.constant 0 : index
    %get3A_14 = arith.constant 0 : index
    %get3A_15 = vector.load %arg4[%get3A_13, %get3A_14] : memref<1x128xf32, #tpu.memory_space<vmem>>, vector<1x128xf32>
    %add3A_16 = vector.broadcast %get3A_15 : vector<1x128xf32> to vector<1280x128xf32>
    %add3A_17 = arith.addf %add3A, %add3A_16 : vector<1280x128xf32>
    %swap3A = arith.constant 0 : index
    %swap3A_18 = arith.constant 0 : index
    %swap3A_19 = vector.load %arg5[%swap3A, %swap3A_18] : memref<1280x128xf32, #tpu.memory_space<vmem>>, vector<1280x128xf32>
    tpu.vector_store %arg5[%swap3A, %swap3A_18], %add3A_17 {strides = array<i32>} : memref<1280x128xf32, #tpu.memory_space<vmem>>, vector<1280x128xf32>,
    return
  }
  func.func @transform_0(%arg0: i32) -> (i32, i32) {
    %c0_i32 = arith.constant 0 : i32
    %c0_i32_0 = arith.constant 0 : i32
    return %arg0, %c0_i32 : i32, i32
  }
  func.func @transform_1(%arg0: i32) -> (i32, i32) {
    %c0_i32 = arith.constant 0 : i32
    %c0_i32_0 = arith.constant 0 : i32
    return %arg0, %c0_i32 : i32, i32
  }
  func.func @transform_2(%arg0: i32) -> (i32, i32) {
    %c0_i32 = arith.constant 0 : i32
    %c0_i32_0 = arith.constant 0 : i32
    return %arg0, %c0_i32 : i32, i32
  }
  func.func @transform_3(%arg0: i32) -> (i32, i32) {
    %c0_i32 = arith.constant 0 : i32
    %c0_i32_0 = arith.constant 0 : i32
    %c0_i32_1 = arith.constant 0 : i32
    return %c0_i32, %c0_i32_0 : i32, i32
  }
  func.func @transform_4(%arg0: i32) -> (i32, i32) {
    %c0_i32 = arith.constant 0 : i32
    %c0_i32_0 = arith.constant 0 : i32
    return %arg0, %c0_i32 : i32, i32
  }
}

</mosaic_0001>

<sc_bundles>
// kernel: kernel.10.cloned.1.call-start
scs
__scs_entry_jumppad:
0x0: {  	(pc) =	sbr.rel $0x88, $3  }
0x1: {  	(tag) =	ssettag $0x0;
	lr =	simm.s32 $0x1  }
0x2: {  	[smem:$0x3F99] =	sst lr;
	_ =	strace $0xD0000000  }
0x3: {  	_ = 	snop  }
0x4: {  	_ = 	snop  }
0x5: {  	_ = 	snop  }
0x6: {  	_ = 	snop  }
0x7: {  	_ = 	snop  }
__scs_overlays_trampoline_lowered:
0x8: {  	[smem:$0x3FA8] =	sst s0  }
0x9: {  	[smem:$0x3FA9] =	sst s1  }
0xa: {  	[smem:$0x3FAA] =	sst s2  }
0xb: {  	[smem:$0x3FAB] =	sst s3  }
0xc: {  	[smem:$0x3FAC] =	sst s4  }
0xd: {  	[smem:$0x3FAD] =	sst s5  }
0xe: {  	[smem:$0x3FAE] =	sst s6  }
0xf: {  	[smem:$0x3FAF] =	sst s7  }
0x10: {  	[smem:$0x3FB0] =	sst s8  }
0x11: {  	[smem:$0x3FB1] =	sst s9;
	s0 =	simm.s32 @!p0 $0x0  }
0x12: {  	s1 =	sld [smem:$0x3F97];
	s0 =	simm.s32 @p0 $0x1  }
0x13: {  	[smem:$0x3FB2] =	sst s0;
	s0 =	simm.s32 @!p1 $0x0  }
0x14: {  	s2 =	sld [smem:$0x3F96];
	s0 =	simm.s32 @p1 $0x1  }
0x15: {  	[smem:$0x3FB3] =	sst s0;
	s0 =	simm.s32 @!p2 $0x0  }
0x16: {  	s3 =	sld [smem:$0x3FDB];
	s0 =	simm.s32 @p2 $0x1  }
0x17: {  	s4 =	simm.s32 $0x1BF5;
	[smem:$0x3FB5] =	sst s0  }
0x18: {  	s0 =	sld [smem:$0x3F98];
	_ =	swait.ge [sflag:s4], $0x0  }
0x19: {  	s7 =	sld [smem:$0x3F99]  }
0x1a: {  	s8 =	sadd.s32 $0xFFFFE003, lr  }
0x1b: {  	s9 =	sadd.s32 $0xFFFFFEF7, lr;
	s5 =	simm.s32 $0xFFFFFFFF;
	p2 =	slt.u32 s8, $0xFFFFF086  }
0x1c: {  	p1 =	slt.u32 s9, $0xF7A;
	s5 =	simm.s32 @!p2 $0x0  }
0x1d: {  	s5 =	simm.s32 @p1 $0x1;
	p0 =	seq.s32 s7, s2  }
0x1e: {  	s7 =	smul.u32 @!p0 $0xF7A, s2;
	p2 =	seq.s32 @!p0 s5, $0x0  }
0x1f: {  	s9 =	smul.u32 $0xF7A, s1;
	s8 =	simm.s32 @!p0 $0x1BF5;
	p2 =	por !p2, p0  }
0x20: {  	[sflag:s8] =	ssyncset.s32 @!p0 $0xFFFFF086;
	s6 =	sadd.s32 @!p0 s3, s7;
	s7 =	simm.s32 @!p0 $0x108  }
0x21: {  	s3 =	sadd.s32 s3, s9;
	s6 =	sadd.s32 @!p0 $0x88, s6;
	s7 =	simm.s32 @p2 $0x1082  }
0x22: {  	[simem:s7], [sflag:s8] =	dma.local @!p0 [hbm:s6], $0xF7A  }
0x23: {  	s9 =	sor.u32 $0xD0000000, s2;
	s6 =	simm.s32 $0x108;
	_ =	swait.ge @!p0 [sflag:s8], $0x0  }
0x24: {  	s3 =	sadd.s32 $0x88, s3;
	s6 =	simm.s32 @!p1 $0x1082;
	[sflag:s4] =	ssyncset.s32 $0xFFFFF086  }
0x25: {  	[simem:s6], [sflag:s4] =	dma.local [hbm:s3], $0xF7A  }
0x26: {  	[smem:$0x3F99] =	sst s1;
	(tag) =	ssettag s2;
	_ =	strace s9  }
0x27: {  	s1 =	sld [smem:$0x3FA9]  }
0x28: {  	s2 =	sld [smem:$0x3FAA]  }
0x29: {  	s4 =	sld [smem:$0x3FAC]  }
0x2a: {  	p0 =	seq.s32 s5, $0x0;
	s5 =	sld [smem:$0x3FAD]  }
0x2b: {  	s6 =	sld [smem:$0x3FAE]  }
0x2c: {  	s7 =	sld [smem:$0x3FAF]  }
0x2d: {  	s3 =	simm.s32 $0x108;
	s8 =	sld [smem:$0x3FB0]  }
0x2e: {  	s3 =	simm.s32 @!p0 $0x1082;
	s9 =	sld [smem:$0x3FB1]  }
0x2f: {  	lr =	sadd.s32 s0, s3;
	s0 =	sld [smem:$0x3FA8]  }
0x30: {  	s3 =	sld [smem:$0x3FAB]  }
0x31: {  	[smem:$0x3FB4] =	sst s10  }
0x32: {  	s10 =	sld [smem:$0x3FB2];
	_ =	sdelay $0x3  }
0x33: {  	p0 =	seq.s32 s10, $0x1;
	s10 =	sld [smem:$0x3FB4];
	_ =	sdelay $0x3  }
0x34: {  	[smem:$0x3FB4] =	sst s10  }
0x35: {  	s10 =	sld [smem:$0x3FB3];
	_ =	sdelay $0x3  }
0x36: {  	p1 =	seq.s32 s10, $0x1;
	s10 =	sld [smem:$0x3FB4];
	_ =	sdelay $0x3  }
0x37: {  	[smem:$0x3FB4] =	sst s10  }
0x38: {  	s10 =	sld [smem:$0x3FB5]  }
0x39: {  	_ = 	snop;
	(pc) =	sbr.ind lr, $3  }
0x3a: {  	_ = 	snop  }
0x3b: {  	_ = 	snop  }
0x3c: {  	p2 =	seq.s32 s10, $0x1;
	s10 =	sld [smem:$0x3FB4]  }
0x3d: {  	_ =	shalt  }
0x3e: {  	_ =	shalt  }
0x3f: {  	_ =	shalt  }
0x40: {  	_ =	shalt  }
0x41: {  	_ =	shalt  }
0x42: {  	_ =	shalt  }
0x43: {  	_ =	shalt  }
0x44: {  	_ =	shalt  }
0x45: {  	_ =	shalt  }
0x46: {  	_ =	shalt  }
0x47: {  	_ =	shalt  }
0x48: {  	_ =	shalt  }
0x49: {  	_ =	shalt  }
0x4a: {  	_ =	shalt  }
0x4b: {  	_ =	shalt  }
0x4c: {  	_ =	shalt  }
0x4d: {  	_ =	shalt  }
0x4e: {  	_ =	shalt  }
0x4f: {  	_ =	shalt  }
0x50: {  	_ =	shalt  }
0x51: {  	_ =	shalt  }
0x52: {  	_ =	shalt  }
0x53: {  	_ =	shalt  }
0x54: {  	_ =	shalt  }
0x55: {  	_ =	shalt  }
0x56: {  	_ =	shalt  }
0x57: {  	_ =	shalt  }
0x58: {  	_ =	shalt  }
0x59: {  	_ =	shalt  }
0x5a: {  	_ =	shalt  }
0x5b: {  	_ =	shalt  }
0x5c: {  	_ =	shalt  }
0x5d: {  	_ =	shalt  }
0x5e: {  	_ =	shalt  }
0x5f: {  	_ =	shalt  }
0x60: {  	_ =	shalt  }
0x61: {  	_ =	shalt  }
0x62: {  	_ =	shalt  }
0x63: {  	_ =	shalt  }
0x64: {  	_ =	shalt  }
0x65: {  	_ =	shalt  }
0x66: {  	_ =	shalt  }
0x67: {  	_ =	shalt  }
0x68: {  	_ =	shalt  }
0x69: {  	_ =	shalt  }
0x6a: {  	_ =	shalt  }
0x6b: {  	_ =	shalt  }
0x6c: {  	_ =	shalt  }
0x6d: {  	_ =	shalt  }
0x6e: {  	_ =	shalt  }
0x6f: {  	_ =	shalt  }
0x70: {  	_ =	shalt  }
0x71: {  	_ =	shalt  }
0x72: {  	_ =	shalt  }
0x73: {  	_ =	shalt  }
0x74: {  	_ =	shalt  }
0x75: {  	_ =	shalt  }
0x76: {  	_ =	shalt  }
0x77: {  	_ =	shalt  }
0x78: {  	_ =	shalt  }
0x79: {  	_ =	shalt  }
0x7a: {  	_ =	shalt  }
0x7b: {  	_ =	shalt  }
0x7c: {  	_ =	shalt  }
0x7d: {  	_ =	shalt  }
0x7e: {  	_ =	shalt  }
0x7f: {  	_ =	shalt  }
0x80: {  	_ =	shalt  }
0x81: {  	_ =	shalt  }
0x82: {  	_ =	shalt  }
0x83: {  	_ =	shalt  }
0x84: {  	_ =	shalt  }
0x85: {  	_ =	shalt  }
0x86: {  	_ =	shalt  }
0x87: {  	_ =	shalt  }
.Lfunc_end0:
.L_simem_size_0:
called_computation.1_lowered:
.L_overlay_start_0:
0x88: {  	s2 =	sld [smem:$0x3FD9]  }
0x89: {  	s3 =	sld [smem:$0x3FFE];
	_ =	sdelay $0x1  }
0x8a: {  	s1 =	srdreg.scid  }
0x8b: {  	s0 =	sand.u32 $0x1, s1  }
0x8c: {  	s17 =	sshll.u32 s0, $0xA;
	s2 =	sadd.s32 s3, s2  }
0x8d: {  	s2 =	sadd.s32 s2, s17  }
0x8e: {  	[smem:$0x3FC0] =	sst s2  }
0x8f: {  	_ = 	snop  }
0x90: {  	s2 =	sld [smem:$0x3FD0];
	(tm) =	ssettm $0x1  }
0x91: {  	s18 =	sld [smem:$0x3FFB];
	_ =	sdelay $0x3  }
0x92: {  	_ =	strace s18  }
0x93: {  	s3 =	sld [smem:$0x3FFC];
	_ =	sdelay $0x3  }
0x94: {  	_ =	strace s3  }
0x95: {  	s3 =	sld [smem:$0x3FFD];
	_ =	sdelay $0x3  }
0x96: {  	_ =	strace s3  }
0x97: {  	_ =	strace $0x8FFFFFFF  }
0x98: {  	s19 =	sld [smem:$0x3FDB];
	_ =	sdelay $0x1  }
0x99: {  	s4 =	simm.s32 $_scs_section_size  }
0x9a: {  	s5 =	simm.s32 $_size__tile_overlayer_lowered;
	s6 =	simm.s32 $_tile_overlayer_lowered  }
0x9b: {  	s22 =	simm.s32 $0x1BFF;
	s21 =	sshll.u32 s6, $0x1;
	s3 =	sadd.s32 s4, s19  }
0x9c: {  	s7 =	simm.s32 $0x0;
	s20 =	sshll.u32 s5, $0x1;
	s5 =	sadd.s32 s21, s3  }
0x9d: {  	[timem:s7], [sflag:s22] =	dma.local [hbm:s5], s20  }
0x9e: {  	_ =	swait.ge [sflag:s22], s20  }
0x9f: {  	s4 =	ssub.s32 $0x0, s20;
	[sflag:s22] =	ssyncset.done $0x0  }
0xa0: {  	[sflag:s22] =	ssyncadd.s32 s4;
	_ =	sdelay $0x1  }
0xa1: {  	s23 =	simm.s32 $0x1B8B  }
0xa2: {  	_ =	swait.ge [sflag:s23], $0x1  }
0xa3: {  	[sflag:s23] =	ssyncset.done $0x0  }
0xa4: {  	s25 =	simm.s32 $0x1B8E;
	s24 =	sld [smem:$0x3FFE];
	[sflag:s23] =	ssyncadd.s32 $0xFFFFFFFF  }
0xa5: {  	s26 =	simm.s32 $execute0_lowered;
	[smem:$0x3FD2] =	sst s25  }
0xa6: {  	s5 =	sshll.u32 s26, $0x1;
	_ =	strace $0x80000049;
	[dreg:$0x1] =	wrdreg $0xFFFFFFFF  }
0xa7: {  	s28 =	simm.s32 $_size_execute0_lowered;
	s3 =	sadd.s32 s3, s5;
	[dreg:$0x0] =	wrdreg $0x0  }
0xa8: {  	s5 =	sshll.u32 s28, $0x1;
	[dreg:$0x2] =	wrdreg s3  }
0xa9: {  	[dreg:$0x3] =	wrdreg s5  }
0xaa: {  	[dreg:$0x4] =	wrdreg $0xC0  }
0xab: {  	_ =	task [dreg:s7], $0x5FFFF  }
0xac: {  	[dreg:$0x1] =	wrdreg $0xFFFFFFFF  }
0xad: {  	[dreg:$0x0] =	wrdreg $0x60  }
0xae: {  	[dreg:$0x2] =	wrdreg s2  }
0xaf: {  	[dreg:$0x3] =	wrdreg s24  }
0xb0: {  	[dreg:$0x4] =	wrdreg $0x9  }
0xb1: {  	_ =	task.clear_ibuf [dreg:s7], $0x5FFFF;
	_ =	strace $0x90000049  }
0xb2: {  	s29 =	simm.s32 $0x9;
	_ =	strace $0x8000004B  }
0xb3: {  	_ =	swait.ge [sflag:s29], $0x1  }
0xb4: {  	[sflag:s29] =	ssyncadd.s32 $0xFFFFFFFF  }
0xb5: {  	_ =	strace $0x9000004B  }
0xb6: {  	_ =	sfence  }
0xb7: {  	s30 =	sld [smem:$0x0];
	_ =	sdelay $0x2  }
0xb8: {  	s31 =	sshll.u32 s1, $0xD;
	s1 =	sshrl.u32 s1, $0x2  }
0xb9: {  	s3 =	sand.u32 $0x4000, s31;
	s1 =	sadd.s32 s1, s30  }
0xba: {  	s0 =	sor.u32 s3, s0;
	s1 =	sshll.u32 s1, $0x11  }
0xbb: {  	s0 =	sor.u32 s1, s0  }
0xbc: {  	s0 =	sadd.s32 $0x8F2B, s0  }
0xbd: {  	[sflag:s0] =	ssyncadd.remote.s32 $0x1  }
0xbe: {  	_ =	sfence.sel $0xFFFF  }
0xbf: {  	[dreg:$0x0] =	wrdreg $0xFFFFFFFF;
	(pc) =	sbr.abs _section_cstart, $3  }
0xc0: {  	[dreg:$0x1] =	wrdreg $0xFFFFFFFF  }
0xc1: {  	_ =	task.clear_ibuf [dreg:s7], $0x2FFFF;
	_ =	strace $0x9FFFFFFF  }
0xc2: {  	(tm) =	ssettm $0x7FFFFFFF  }
0xc3: {  	_ =	shalt  }
tec
execute0_lowered:
.L_overlay_start_1:
0x0: {  	(tag) =	ssettag $0x1  }
0x1: {  	s2 =	rddreg [dreg:$0x0]  }
0x2: {  	s0 =	srdreg.scid;
	s7 =	rddreg [dreg:$0x1]  }
0x3: {  	s1 =	stileid.u32;
	s3 =	simm.s32 $0x0;
	s4 =	sand.u32 $0x1, s0  }
0x4: {  	s11 =	simm.s32 $0x1;
	s12 =	simm.s32 $0x80;
	s5 =	sshll.u32 s4, $0x4  }
0x5: {  	s13 =	simm.s32 $0x4180;
	s14 =	simm.s32 $0x8180;
	s5 =	sor.u32 s1, s5  }
0x6: {  	s15 =	simm.s32 $0x0;
	s0 =	rddreg [dreg:$0x2];
	s8 =	smul.u32 $0x1400, s5  }
.Ltmp0:
0x7: {  	[smem:$0x7FF] =	sst s3;
	s9 =	ssub.s32 $0x2, s4;
	(pc) =	sbr.rel .LBB2_1-.Ltmp0, $4  }
0x8: {  	v1 =	vlaneseq.u32;
	v3 =	vimm.f32 $0.0e+00;
	s6 =	sadd.s32 $0xC600, s7;
	s10 =	sshrl.u32 s9, $0x1;
	s4 =	smul.u32 $0x140, s5  }
0x9: {  	v4 =	vor.u32 $0x10, v1;
	v5 =	vor.u32 $0x20, v1;
	v6 =	vor.u32 $0x30, v1;
	_ =	strace $0x8000004A;
	s5 =	sadd.s32 $0x2800, s7;
	s30 =	ssub.s32 s9, s10  }
0xa: {  	v7 =	vor.u32 $0x40, v1;
	v8 =	vor.u32 $0x50, v1;
	v9 =	vor.u32 $0x60, v1;
	s9 =	simm.s32 $0x2;
	s7 =	sadd.s32 s8, s7;
	s31 =	sadd.s32 $0x140, s4  }
0xb: {  	v10 =	vor.u32 $0x70, v1;
	s10 =	simm.s32 $0x1000;
	v0 =	vmov s4;
	s8 =	smax.u32 s30, $0x1;
	v2 =	vmov s31;
	s7 =	sadd.s32 $0x16400, s7  }
.LBB2_14:
0xc: {  	s15 =	sadd.s32 $0x1, s15  }
0xd: {  	p0 =	sne.s32 s15, s8  }
.Ltmp1:
0xe: {  	_ = 	snop;
	(pc) =	sbr.rel @!p0 .LBB2_15-.Ltmp1, $4  }
0xf: {  	[hbm4b:s7+s3] =	stream.linear.scatter [tilespmem:s14], [sflag:$0x2], $0xA000, $0x38;
	[tilespmem:$0x12180] =	vst v63  }
0x10: {  	_ =	swait.ge [sflag:s9], $0xA000  }
0x11: {  	[sflag:s9] =	ssyncset.done $0x0  }
0x12: {  	[sflag:s9] =	ssyncadd.s32 $0xFFFF6000  }
.LBB2_1:
0x13: {  	s17 =	simm.s32 $0x0;
	s16 =	simm.s32 $0x200  }
.LBB2_2:
0x14: {  	p0 =	sne.s32 s16, $0x27E00;
	[tilespmem:s17+$0x81F0] =	vst v3  }
0x15: {  	[tilespmem:s17+$0x8180] =	vst v3  }
0x16: {  	[tilespmem:s17+$0x8190] =	vst v3  }
.Ltmp2:
0x17: {  	[tilespmem:s17+$0x81A0] =	vst v3;
	(pc) =	sbr.rel @p0 .LBB2_2-.Ltmp2, $4  }
0x18: {  	[tilespmem:s17+$0x81B0] =	vst v3  }
0x19: {  	[tilespmem:s17+$0x81C0] =	vst v3  }
0x1a: {  	[tilespmem:s17+$0x81D0] =	vst v3  }
0x1b: {  	[tilespmem:s17+$0x81E0] =	vst v3;
	s17 =	sshra.s32 s16, $0x2;
	s16 =	sadd.s32 $0x200, s16  }
0x1c: {  	[tilespmem:s17+$0x81F0] =	vst v3  }
0x1d: {  	[tilespmem:s17+$0x8180] =	vst v3  }
0x1e: {  	[tilespmem:s17+$0x8190] =	vst v3  }
.Ltmp3:
0x1f: {  	[tilespmem:s17+$0x81A0] =	vst v3;
	(pc) =	sbr.rel .LBB2_4-.Ltmp3, $4  }
0x20: {  	[tilespmem:s17+$0x81B0] =	vst v3  }
0x21: {  	[tilespmem:s17+$0x81C0] =	vst v3  }
0x22: {  	[tilespmem:s17+$0x81D0] =	vst v3  }
0x23: {  	s16 =	simm.s32 $0x0;
	[tilespmem:s17+$0x81E0] =	vst v3;
	s17 =	simm.s32 $0x0  }
.LBB2_13:
0x24: {  	s17 =	sadd.s32 $0x1, s17  }
0x25: {  	p0 =	sne.s32 s17, $0x4F  }
.Ltmp4:
0x26: {  	_ = 	snop;
	(pc) =	sbr.rel @!p0 .LBB2_14-.Ltmp4, $1  }
0x27: {  	_ =	sdelay $0x3  }
.LBB2_4:
0x28: {  	s18 =	sshll.u32 s17, $0x9  }
0x29: {  	s19 =	sadd.s32 s5, s18  }
0x2a: {  	[tilespmem:s16], [sflag:$0x2] =	stream.linear.gather [hbm4b:s19+s16], $0x1000, $0x38;
	[tilespmem:$0x12180] =	vst v63  }
0x2b: {  	_ =	swait.ge [sflag:s9], $0x1000  }
0x2c: {  	[sflag:s9] =	ssyncset.done $0x0  }
0x2d: {  	s18 =	sadd.s32 s6, s18;
	[sflag:s9] =	ssyncadd.s32 $0xFFFFF000  }
0x2e: {  	[tilespmem:s10], [sflag:$0x2] =	stream.linear.gather [hbm4b:s18+s16], $0x1000, $0x38;
	[tilespmem:$0x12180] =	vst v63  }
0x2f: {  	_ =	swait.ge [sflag:s9], $0x1000  }
0x30: {  	[sflag:s9] =	ssyncset.done $0x0  }
0x31: {  	s31 =	simm.s32 $0x0;
	[sflag:s9] =	ssyncadd.s32 $0xFFFFF000  }
0x32: {  	v11 =	vld [tilespmem:s31+$0x1000];
	_ =	sdelay $0x4  }
0x33: {  	vm0 =	vge.s32 v11, v0;
	vm1 =	vlt.s32 v11, v2  }
0x34: {  	vm0 =	vmand vm0, vm1  }
0x35: {  	v13 =	vmpcnt.ones.xlane vm0;
	_ =	sdelay $0x1  }
0x36: {  	(v2sf) =	vpush v13, $0x0  }
0x37: {  	v12 =	vld [tilespmem:s31+$0x0];
	_ =	sdelay $0x3  }
0x38: {  	[tilespmem:s16+$0x3080] =	vst.msk vm0, v11  }
0x39: {  	s20 =	simm.s32 $0x10;
	s19 =	simm.s32 $0x80;
	s18 =	simm.s32 $0x0;
	[tilespmem:s16+$0x2000] =	vst.msk vm0, v12  }
.LBB2_5:
0x3a: {  	p0 =	sne.s32 s19, $0x3FC0;
	v11 =	vld [tilespmem:s20+$0x1000];
	_ =	sdelay $0x4  }
0x3b: {  	vm0 =	vge.s32 v11, v0;
	vm1 =	vlt.s32 v11, v2  }
0x3c: {  	v12 =	vld [tilespmem:s20+$0x0];
	vm0 =	vmand vm0, vm1  }
0x3d: {  	v13 =	vmpcnt.ones.xlane vm0  }
0x3e: {  	s20 =	spop (v2sf)  }
0x3f: {  	(v2sf) =	vpush v13, $0x0;
	s18 =	sadd.s32 s18, s20  }
0x40: {  	[tilespmem:s18+$0x3080] =	vst.msk vm0, v11  }
.Ltmp5:
0x41: {  	[tilespmem:s18+$0x2000] =	vst.msk vm0, v12;
	(pc) =	sbr.rel @p0 .LBB2_5-.Ltmp5, $2  }
0x42: {  	_ =	sdelay $0x2  }
0x43: {  	s20 =	sshra.s32 s19, $0x2;
	s19 =	sadd.s32 $0x40, s19  }
0x44: {  	v11 =	vld [tilespmem:s20+$0x1000];
	_ =	sdelay $0x4  }
0x45: {  	vm0 =	vge.s32 v11, v0;
	vm1 =	vlt.s32 v11, v2  }
0x46: {  	vm0 =	vmand vm0, vm1  }
0x47: {  	v12 =	vmpcnt.ones.xlane vm0;
	_ =	sdelay $0x1  }
0x48: {  	(v2sf) =	vpush v12, $0x0;
	_ =	sdelay $0xd  }
0x49: {  	s19 =	spop (v2sf)  }
0x4a: {  	s19 =	sadd.s32 s18, s19;
	s28 =	spop (v2sf)  }
0x4b: {  	v63 =	vld [tilespmem:s20+$0x0];
	s18 =	sadd.s32 s19, s28  }
0x4c: {  	s29 =	sadd.s32 $0x7F, s18  }
0x4d: {  	s30 =	sand.u32 $0x7F, s29  }
0x4e: {  	s31 =	sshra.s32 s29, $0x1F;
	p1 =	slt.s32 s29, $0x1;
	p0 =	sne.s32 s30, $0x0  }
0x4f: {  	[tilespmem:s19+$0x3080] =	vst.msk vm0, v11;
	s20 =	sshrl.u32 s31, $0x19;
	p0 =	por !p1, !p0  }
0x50: {  	[tilespmem:s19+$0x2000] =	vst.msk vm0, v63;
	s19 =	sadd.s32 s20, s29;
	s20 =	simm.s32 $0x1;
	p0 =	por !p0, !p0  }
0x51: {  	[tilespmem:s18+$0x2000] =	vst v1;
	s19 =	sshra.s32 s19, $0x7;
	s20 =	simm.s32 @!p0 $0x0  }
0x52: {  	[tilespmem:s18+$0x2010] =	vst v4;
	s19 =	ssub.s32 s19, s20  }
0x53: {  	[tilespmem:s18+$0x2020] =	vst v5;
	p0 =	slt.s32 s19, $0x1  }
.Ltmp6:
0x54: {  	[tilespmem:s18+$0x2030] =	vst v6;
	(pc) =	sbr.rel @p0 .LBB2_13-.Ltmp6, $4  }
0x55: {  	[tilespmem:s18+$0x2040] =	vst v7  }
0x56: {  	[tilespmem:s18+$0x2050] =	vst v8  }
0x57: {  	[tilespmem:s18+$0x2060] =	vst v9  }
0x58: {  	[tilespmem:s18+$0x2070] =	vst v10  }
.Ltmp7:
0x59: {  	(pc) =	sbr.rel .LBB2_8-.Ltmp7, $2  }
0x5a: {  	_ =	sdelay $0x2  }
0x5b: {  	s20 =	simm.s32 $0x0;
	s21 =	simm.s32 $0x3080;
	s22 =	smov.u32 s18  }
.LBB2_11:
0x5c: {  	[tilespmem:s24+$0x81F0] =	vst v11  }
.LBB2_12:
0x5d: {  	s20 =	sadd.s32 $0x1, s20  }
0x5e: {  	p0 =	sne.s32 s20, s19  }
.Ltmp8:
0x5f: {  	_ = 	snop;
	(pc) =	sbr.rel @!p0 .LBB2_13-.Ltmp8, $2  }
0x60: {  	_ =	sdelay $0x2  }
0x61: {  	s22 =	sadd.s32 $0xFFFFFF80, s22;
	s21 =	sadd.s32 $0x80, s21  }
.LBB2_8:
0x62: {  	s24 =	sshll.u32 s20, $0x7  }
0x63: {  	s23 =	sshll.u32 s20, $0x9;
	s31 =	ssub.s32 s18, s24  }
0x64: {  	s23 =	sshra.s32 s23, $0x2;
	p0 =	slt.s32 s31, $0x1  }
.Ltmp9:
0x65: {  	s23 =	sadd.s32 $0x2000, s23;
	(pc) =	sbr.rel @p0 .LBB2_12-.Ltmp9, $4  }
0x66: {  	[tilespmem:s13], [sflag:$0x1] =	stream.indirect.gather [hbm4b:s2+s12], $0x80, s23, s12, $0xb8;
	[tilespmem:$0x12180] =	vst v63  }
0x67: {  	_ =	swait.ge [sflag:s11], $0x4000  }
0x68: {  	[sflag:s11] =	ssyncset.done $0x0  }
0x69: {  	[sflag:s11] =	ssyncadd.s32 $0xFFFFC000  }
0x6a: {  	v11 =	vld [tilespmem:s21+$0x0];
	_ =	sdelay $0x4  }
0x6b: {  	(v2sf) =	vpush v11, $0x0;
	_ =	sdelay $0xe  }
0x6c: {  	s23 =	spop (v2sf)  }
0x6d: {  	s24 =	ssub.s32 s23, s4  }
0x6e: {  	s23 =	simm.s32 $0x41C0;
	s24 =	sshll.u32 s24, $0x9  }
0x6f: {  	v11 =	vld [tilespmem:s23+$0xFFFFFFC0];
	s24 =	sshra.s32 s24, $0x2  }
0x70: {  	v12 =	vld [tilespmem:s24+$0x8180];
	_ =	sdelay $0x4  }
0x71: {  	v11 =	vadd.f32 v11, v12;
	_ =	sdelay $0x1  }
0x72: {  	[tilespmem:s24+$0x8180] =	vst v11;
	v11 =	vld [tilespmem:s24+$0x8190]  }
0x73: {  	v57 =	vld [tilespmem:s23+$0xFFFFFFD0];
	_ =	sdelay $0x4  }
0x74: {  	v11 =	vadd.f32 v57, v11;
	_ =	sdelay $0x1  }
0x75: {  	[tilespmem:s24+$0x8190] =	vst v11;
	v11 =	vld [tilespmem:s24+$0x81A0]  }
0x76: {  	v58 =	vld [tilespmem:s23+$0xFFFFFFE0];
	_ =	sdelay $0x4  }
0x77: {  	v11 =	vadd.f32 v58, v11;
	_ =	sdelay $0x1  }
0x78: {  	[tilespmem:s24+$0x81A0] =	vst v11;
	v11 =	vld [tilespmem:s24+$0x81B0]  }
0x79: {  	v59 =	vld [tilespmem:s23+$0xFFFFFFF0];
	_ =	sdelay $0x4  }
0x7a: {  	v11 =	vadd.f32 v59, v11;
	_ =	sdelay $0x1  }
0x7b: {  	[tilespmem:s24+$0x81B0] =	vst v11;
	v11 =	vld [tilespmem:s24+$0x81C0]  }
0x7c: {  	v60 =	vld [tilespmem:s23+$0x0];
	_ =	sdelay $0x4  }
0x7d: {  	v11 =	vadd.f32 v60, v11;
	_ =	sdelay $0x1  }
0x7e: {  	[tilespmem:s24+$0x81C0] =	vst v11;
	v11 =	vld [tilespmem:s24+$0x81D0]  }
0x7f: {  	v61 =	vld [tilespmem:s23+$0x10];
	_ =	sdelay $0x4  }
0x80: {  	v11 =	vadd.f32 v61, v11;
	_ =	sdelay $0x1  }
0x81: {  	[tilespmem:s24+$0x81D0] =	vst v11;
	v11 =	vld [tilespmem:s24+$0x81E0]  }
0x82: {  	v62 =	vld [tilespmem:s23+$0x20];
	_ =	sdelay $0x4  }
0x83: {  	v11 =	vadd.f32 v62, v11  }
0x84: {  	p0 =	sgt.s32 s22, $0x1;
	s25 =	smov.u32 s22  }
0x85: {  	s25 =	simm.s32 @!p0 $0x1;
	[tilespmem:s24+$0x81E0] =	vst v11;
	v11 =	vld [tilespmem:s24+$0x81F0]  }
0x86: {  	s25 =	smin.u32 s25, $0x80;
	v63 =	vld [tilespmem:s23+$0x30]  }
0x87: {  	p0 =	sne.s32 s25, $0x1  }
.Ltmp10:
0x88: {  	_ = 	snop;
	(pc) =	sbr.rel @!p0 .LBB2_11-.Ltmp10, $3  }
0x89: {  	_ =	sdelay $0x1  }
0x8a: {  	v11 =	vadd.f32 v63, v11  }
0x8b: {  	s26 =	smov.u32 s21;
	s25 =	sadd.s32 $0xFFFFFFFF, s25  }
.LBB2_10:
0x8c: {  	p0 =	sne.s32 s25, $0x1;
	[tilespmem:s24+$0x81F0] =	vst v11;
	s26 =	sadd.s32 $0x1, s26;
	s23 =	sadd.s32 $0x80, s23  }
0x8d: {  	s25 =	sadd.s32 $0xFFFFFFFF, s25;
	v11 =	vld [tilespmem:s26+$0x0];
	_ =	sdelay $0x4  }
0x8e: {  	(v2sf) =	vpush v11, $0x0;
	_ =	sdelay $0xe  }
0x8f: {  	s24 =	spop (v2sf)  }
0x90: {  	s24 =	ssub.s32 s24, s4  }
0x91: {  	s24 =	sshll.u32 s24, $0x9  }
0x92: {  	s24 =	sshra.s32 s24, $0x2;
	v11 =	vld [tilespmem:s23+$0xFFFFFFC0]  }
0x93: {  	v12 =	vld [tilespmem:s24+$0x8180];
	_ =	sdelay $0x4  }
0x94: {  	v11 =	vadd.f32 v11, v12;
	_ =	sdelay $0x1  }
0x95: {  	[tilespmem:s24+$0x8180] =	vst v11;
	v11 =	vld [tilespmem:s24+$0x8190]  }
0x96: {  	v12 =	vld [tilespmem:s23+$0xFFFFFFD0];
	_ =	sdelay $0x4  }
0x97: {  	v11 =	vadd.f32 v12, v11;
	_ =	sdelay $0x1  }
0x98: {  	[tilespmem:s24+$0x8190] =	vst v11;
	v11 =	vld [tilespmem:s24+$0x81A0]  }
0x99: {  	v12 =	vld [tilespmem:s23+$0xFFFFFFE0];
	_ =	sdelay $0x4  }
0x9a: {  	v11 =	vadd.f32 v12, v11;
	_ =	sdelay $0x1  }
0x9b: {  	[tilespmem:s24+$0x81A0] =	vst v11;
	v11 =	vld [tilespmem:s24+$0x81B0]  }
0x9c: {  	v12 =	vld [tilespmem:s23+$0xFFFFFFF0];
	_ =	sdelay $0x4  }
0x9d: {  	v11 =	vadd.f32 v12, v11;
	_ =	sdelay $0x1  }
0x9e: {  	[tilespmem:s24+$0x81B0] =	vst v11;
	v11 =	vld [tilespmem:s24+$0x81C0]  }
0x9f: {  	v12 =	vld [tilespmem:s23+$0x0];
	_ =	sdelay $0x4  }
0xa0: {  	v11 =	vadd.f32 v12, v11;
	_ =	sdelay $0x1  }
0xa1: {  	[tilespmem:s24+$0x81C0] =	vst v11;
	v11 =	vld [tilespmem:s24+$0x81D0]  }
0xa2: {  	v12 =	vld [tilespmem:s23+$0x10];
	_ =	sdelay $0x4  }
0xa3: {  	v11 =	vadd.f32 v12, v11;
	_ =	sdelay $0x1  }
0xa4: {  	[tilespmem:s24+$0x81D0] =	vst v11;
	v11 =	vld [tilespmem:s24+$0x81E0]  }
0xa5: {  	v12 =	vld [tilespmem:s23+$0x20];
	_ =	sdelay $0x4  }
0xa6: {  	v11 =	vadd.f32 v12, v11;
	_ =	sdelay $0x1  }
0xa7: {  	[tilespmem:s24+$0x81E0] =	vst v11;
	v11 =	vld [tilespmem:s24+$0x81F0]  }
0xa8: {  	v12 =	vld [tilespmem:s23+$0x30]  }
.Ltmp11:
0xa9: {  	(pc) =	sbr.rel @p0 .LBB2_10-.Ltmp11, $2  }
0xaa: {  	_ =	sdelay $0x2  }
0xab: {  	v11 =	vadd.f32 v12, v11  }
.Ltmp12:
0xac: {  	_ = 	snop;
	(pc) =	sbr.rel .LBB2_11-.Ltmp12, $1  }
0xad: {  	_ =	sdelay $0x3  }
.LBB2_15:
0xae: {  	_ =	sfence.sel $0x180000  }
0xaf: {  	[bflag:$0x0] =	sbarrier.arrive $0xFFFF  }
0xb0: {  	p0 =	sne.s32 s1, $0x0;
	_ =	strace $0x9000004A  }
0xb1: {  	s0 =	sadd.s32 @!p0 $0x100000, s0;
	[bflag:$0x2] =	sbarrier.arrive $0xFFFF  }
0xb2: {  	[sflag:s0] =	ssyncadd.tile.s32 @!p0 $0x1;
	_ =	shalt  }
.Lfunc_end2:
_tile_overlayer_lowered:
.L_overlay_start_2:
0xb3: {  	(tag) =	ssettag $0x2  }
0xb4: {  	s0 =	rddreg [dreg:$0x0];
	s2 =	stileid.u32  }
0xb5: {  	s1 =	rddreg [dreg:$0x1];
	p0 =	sne.s32 s2, $0x0  }
0xb6: {  	s3 =	rddreg [dreg:$0x2];
	[bflag:$0x3] =	sbarrier.arrive $0xFFFF;
	s2 =	simm.s32 @!p0 $0x1C02  }
0xb7: {  	[timem:s3], [sflag:s2] =	dma.local @!p0 [hbm:s0], s1  }
0xb8: {  	s0 =	simm.s32 @!p0 $0x2  }
0xb9: {  	_ =	swait.ge @!p0 [sflag:s0], s1  }
0xba: {  	s1 =	ssub.s32 @!p0 $0x0, s1;
	[sflag:s0] =	ssyncset.done @!p0 $0x0  }
0xbb: {  	[sflag:s0] =	ssyncadd.s32 @!p0 s1  }
0xbc: {  	[bflag:$0x3] =	sbarrier.arrive $0xFFFF  }
0xbd: {  	_ =	shalt  }

// kernel: kernel.7.cloned.1.call-start
scs
__scs_entry_jumppad:
0x0: {  	(pc) =	sbr.rel $0x88, $3  }
0x1: {  	(tag) =	ssettag $0x0;
	lr =	simm.s32 $0x1  }
0x2: {  	[smem:$0x3F99] =	sst lr;
	_ =	strace $0xD0000000  }
0x3: {  	_ = 	snop  }
0x4: {  	_ = 	snop  }
0x5: {  	_ = 	snop  }
0x6: {  	_ = 	snop  }
0x7: {  	_ = 	snop  }
__scs_overlays_trampoline_lowered:
0x8: {  	[smem:$0x3FA8] =	sst s0  }
0x9: {  	[smem:$0x3FA9] =	sst s1  }
0xa: {  	[smem:$0x3FAA] =	sst s2  }
0xb: {  	[smem:$0x3FAB] =	sst s3  }
0xc: {  	[smem:$0x3FAC] =	sst s4  }
0xd: {  	[smem:$0x3FAD] =	sst s5  }
0xe: {  	[smem:$0x3FAE] =	sst s6  }
0xf: {  	[smem:$0x3FAF] =	sst s7  }
0x10: {  	[smem:$0x3FB0] =	sst s8  }
0x11: {  	[smem:$0x3FB1] =	sst s9;
	s0 =	simm.s32 @!p0 $0x0  }
0x12: {  	s1 =	sld [smem:$0x3F97];
	s0 =	simm.s32 @p0 $0x1  }
0x13: {  	[smem:$0x3FB2] =	sst s0;
	s0 =	simm.s32 @!p1 $0x0  }
0x14: {  	s2 =	sld [smem:$0x3F96];
	s0 =	simm.s32 @p1 $0x1  }
0x15: {  	[smem:$0x3FB3] =	sst s0;
	s0 =	simm.s32 @!p2 $0x0  }
0x16: {  	s3 =	sld [smem:$0x3FDB];
	s0 =	simm.s32 @p2 $0x1  }
0x17: {  	s4 =	simm.s32 $0x1BF5;
	[smem:$0x3FB5] =	sst s0  }
0x18: {  	s0 =	sld [smem:$0x3F98];
	_ =	swait.ge [sflag:s4], $0x0  }
0x19: {  	s7 =	sld [smem:$0x3F99]  }
0x1a: {  	s8 =	sadd.s32 $0xFFFFE003, lr  }
0x1b: {  	s9 =	sadd.s32 $0xFFFFFEF7, lr;
	s5 =	simm.s32 $0xFFFFFFFF;
	p2 =	slt.u32 s8, $0xFFFFF086  }
0x1c: {  	p1 =	slt.u32 s9, $0xF7A;
	s5 =	simm.s32 @!p2 $0x0  }
0x1d: {  	s5 =	simm.s32 @p1 $0x1;
	p0 =	seq.s32 s7, s2  }
0x1e: {  	s7 =	smul.u32 @!p0 $0xF7A, s2;
	p2 =	seq.s32 @!p0 s5, $0x0  }
0x1f: {  	s9 =	smul.u32 $0xF7A, s1;
	s8 =	simm.s32 @!p0 $0x1BF5;
	p2 =	por !p2, p0  }
0x20: {  	[sflag:s8] =	ssyncset.s32 @!p0 $0xFFFFF086;
	s6 =	sadd.s32 @!p0 s3, s7;
	s7 =	simm.s32 @!p0 $0x108  }
0x21: {  	s3 =	sadd.s32 s3, s9;
	s6 =	sadd.s32 @!p0 $0x88, s6;
	s7 =	simm.s32 @p2 $0x1082  }
0x22: {  	[simem:s7], [sflag:s8] =	dma.local @!p0 [hbm:s6], $0xF7A  }
0x23: {  	s9 =	sor.u32 $0xD0000000, s2;
	s6 =	simm.s32 $0x108;
	_ =	swait.ge @!p0 [sflag:s8], $0x0  }
0x24: {  	s3 =	sadd.s32 $0x88, s3;
	s6 =	simm.s32 @!p1 $0x1082;
	[sflag:s4] =	ssyncset.s32 $0xFFFFF086  }
0x25: {  	[simem:s6], [sflag:s4] =	dma.local [hbm:s3], $0xF7A  }
0x26: {  	[smem:$0x3F99] =	sst s1;
	(tag) =	ssettag s2;
	_ =	strace s9  }
0x27: {  	s1 =	sld [smem:$0x3FA9]  }
0x28: {  	s2 =	sld [smem:$0x3FAA]  }
0x29: {  	s4 =	sld [smem:$0x3FAC]  }
0x2a: {  	p0 =	seq.s32 s5, $0x0;
	s5 =	sld [smem:$0x3FAD]  }
0x2b: {  	s6 =	sld [smem:$0x3FAE]  }
0x2c: {  	s7 =	sld [smem:$0x3FAF]  }
0x2d: {  	s3 =	simm.s32 $0x108;
	s8 =	sld [smem:$0x3FB0]  }
0x2e: {  	s3 =	simm.s32 @!p0 $0x1082;
	s9 =	sld [smem:$0x3FB1]  }
0x2f: {  	lr =	sadd.s32 s0, s3;
	s0 =	sld [smem:$0x3FA8]  }
0x30: {  	s3 =	sld [smem:$0x3FAB]  }
0x31: {  	[smem:$0x3FB4] =	sst s10  }
0x32: {  	s10 =	sld [smem:$0x3FB2];
	_ =	sdelay $0x3  }
0x33: {  	p0 =	seq.s32 s10, $0x1;
	s10 =	sld [smem:$0x3FB4];
	_ =	sdelay $0x3  }
0x34: {  	[smem:$0x3FB4] =	sst s10  }
0x35: {  	s10 =	sld [smem:$0x3FB3];
	_ =	sdelay $0x3  }
0x36: {  	p1 =	seq.s32 s10, $0x1;
	s10 =	sld [smem:$0x3FB4];
	_ =	sdelay $0x3  }
0x37: {  	[smem:$0x3FB4] =	sst s10  }
0x38: {  	s10 =	sld [smem:$0x3FB5]  }
0x39: {  	_ = 	snop;
	(pc) =	sbr.ind lr, $3  }
0x3a: {  	_ = 	snop  }
0x3b: {  	_ = 	snop  }
0x3c: {  	p2 =	seq.s32 s10, $0x1;
	s10 =	sld [smem:$0x3FB4]  }
0x3d: {  	_ =	shalt  }
0x3e: {  	_ =	shalt  }
0x3f: {  	_ =	shalt  }
0x40: {  	_ =	shalt  }
0x41: {  	_ =	shalt  }
0x42: {  	_ =	shalt  }
0x43: {  	_ =	shalt  }
0x44: {  	_ =	shalt  }
0x45: {  	_ =	shalt  }
0x46: {  	_ =	shalt  }
0x47: {  	_ =	shalt  }
0x48: {  	_ =	shalt  }
0x49: {  	_ =	shalt  }
0x4a: {  	_ =	shalt  }
0x4b: {  	_ =	shalt  }
0x4c: {  	_ =	shalt  }
0x4d: {  	_ =	shalt  }
0x4e: {  	_ =	shalt  }
0x4f: {  	_ =	shalt  }
0x50: {  	_ =	shalt  }
0x51: {  	_ =	shalt  }
0x52: {  	_ =	shalt  }
0x53: {  	_ =	shalt  }
0x54: {  	_ =	shalt  }
0x55: {  	_ =	shalt  }
0x56: {  	_ =	shalt  }
0x57: {  	_ =	shalt  }
0x58: {  	_ =	shalt  }
0x59: {  	_ =	shalt  }
0x5a: {  	_ =	shalt  }
0x5b: {  	_ =	shalt  }
0x5c: {  	_ =	shalt  }
0x5d: {  	_ =	shalt  }
0x5e: {  	_ =	shalt  }
0x5f: {  	_ =	shalt  }
0x60: {  	_ =	shalt  }
0x61: {  	_ =	shalt  }
0x62: {  	_ =	shalt  }
0x63: {  	_ =	shalt  }
0x64: {  	_ =	shalt  }
0x65: {  	_ =	shalt  }
0x66: {  	_ =	shalt  }
0x67: {  	_ =	shalt  }
0x68: {  	_ =	shalt  }
0x69: {  	_ =	shalt  }
0x6a: {  	_ =	shalt  }
0x6b: {  	_ =	shalt  }
0x6c: {  	_ =	shalt  }
0x6d: {  	_ =	shalt  }
0x6e: {  	_ =	shalt  }
0x6f: {  	_ =	shalt  }
0x70: {  	_ =	shalt  }
0x71: {  	_ =	shalt  }
0x72: {  	_ =	shalt  }
0x73: {  	_ =	shalt  }
0x74: {  	_ =	shalt  }
0x75: {  	_ =	shalt  }
0x76: {  	_ =	shalt  }
0x77: {  	_ =	shalt  }
0x78: {  	_ =	shalt  }
0x79: {  	_ =	shalt  }
0x7a: {  	_ =	shalt  }
0x7b: {  	_ =	shalt  }
0x7c: {  	_ =	shalt  }
0x7d: {  	_ =	shalt  }
0x7e: {  	_ =	shalt  }
0x7f: {  	_ =	shalt  }
0x80: {  	_ =	shalt  }
0x81: {  	_ =	shalt  }
0x82: {  	_ =	shalt  }
0x83: {  	_ =	shalt  }
0x84: {  	_ =	shalt  }
0x85: {  	_ =	shalt  }
0x86: {  	_ =	shalt  }
0x87: {  	_ =	shalt  }
.Lfunc_end0:
.L_simem_size_0:
called_computation_lowered:
.L_overlay_start_0:
0x88: {  	s2 =	sld [smem:$0x3FD9]  }
0x89: {  	s3 =	sld [smem:$0x3FFE];
	_ =	sdelay $0x1  }
0x8a: {  	s1 =	srdreg.scid  }
0x8b: {  	s0 =	sand.u32 $0x1, s1  }
0x8c: {  	s17 =	sshll.u32 s0, $0xA;
	s2 =	sadd.s32 s3, s2  }
0x8d: {  	s2 =	sadd.s32 s2, s17  }
0x8e: {  	[smem:$0x3FC0] =	sst s2  }
0x8f: {  	_ = 	snop  }
0x90: {  	s2 =	sld [smem:$0x3FD0];
	(tm) =	ssettm $0x1  }
0x91: {  	s18 =	sld [smem:$0x3FFB];
	_ =	sdelay $0x3  }
0x92: {  	_ =	strace s18  }
0x93: {  	s3 =	sld [smem:$0x3FFC];
	_ =	sdelay $0x3  }
0x94: {  	_ =	strace s3  }
0x95: {  	s3 =	sld [smem:$0x3FFD];
	_ =	sdelay $0x3  }
0x96: {  	_ =	strace s3  }
0x97: {  	_ =	strace $0x8FFFFFFF  }
0x98: {  	s19 =	sld [smem:$0x3FDB];
	_ =	sdelay $0x1  }
0x99: {  	s4 =	simm.s32 $_scs_section_size  }
0x9a: {  	s5 =	simm.s32 $_size__tile_overlayer_lowered;
	s6 =	simm.s32 $_tile_overlayer_lowered  }
0x9b: {  	s22 =	simm.s32 $0x1BFF;
	s21 =	sshll.u32 s6, $0x1;
	s3 =	sadd.s32 s4, s19  }
0x9c: {  	s7 =	simm.s32 $0x0;
	s20 =	sshll.u32 s5, $0x1;
	s5 =	sadd.s32 s21, s3  }
0x9d: {  	[timem:s7], [sflag:s22] =	dma.local [hbm:s5], s20  }
0x9e: {  	_ =	swait.ge [sflag:s22], s20  }
0x9f: {  	s4 =	ssub.s32 $0x0, s20;
	[sflag:s22] =	ssyncset.done $0x0  }
0xa0: {  	[sflag:s22] =	ssyncadd.s32 s4;
	_ =	sdelay $0x1  }
0xa1: {  	s23 =	simm.s32 $0x1B8B  }
0xa2: {  	_ =	swait.ge [sflag:s23], $0x1  }
0xa3: {  	[sflag:s23] =	ssyncset.done $0x0  }
0xa4: {  	s25 =	simm.s32 $0x1B8E;
	s24 =	sld [smem:$0x3FFE];
	[sflag:s23] =	ssyncadd.s32 $0xFFFFFFFF  }
0xa5: {  	s26 =	simm.s32 $execute0_lowered;
	[smem:$0x3FD2] =	sst s25  }
0xa6: {  	s5 =	sshll.u32 s26, $0x1;
	_ =	strace $0x80000046;
	[dreg:$0x1] =	wrdreg $0xFFFFFFFF  }
0xa7: {  	s28 =	simm.s32 $_size_execute0_lowered;
	s3 =	sadd.s32 s3, s5;
	[dreg:$0x0] =	wrdreg $0x0  }
0xa8: {  	s5 =	sshll.u32 s28, $0x1;
	[dreg:$0x2] =	wrdreg s3  }
0xa9: {  	[dreg:$0x3] =	wrdreg s5  }
0xaa: {  	[dreg:$0x4] =	wrdreg $0xC0  }
0xab: {  	_ =	task [dreg:s7], $0x5FFFF  }
0xac: {  	[dreg:$0x1] =	wrdreg $0xFFFFFFFF  }
0xad: {  	[dreg:$0x0] =	wrdreg $0x60  }
0xae: {  	[dreg:$0x2] =	wrdreg s2  }
0xaf: {  	[dreg:$0x3] =	wrdreg s24  }
0xb0: {  	[dreg:$0x4] =	wrdreg $0x9  }
0xb1: {  	_ =	task.clear_ibuf [dreg:s7], $0x5FFFF;
	_ =	strace $0x90000046  }
0xb2: {  	s29 =	simm.s32 $0x9;
	_ =	strace $0x80000048  }
0xb3: {  	_ =	swait.ge [sflag:s29], $0x1  }
0xb4: {  	[sflag:s29] =	ssyncadd.s32 $0xFFFFFFFF  }
0xb5: {  	_ =	strace $0x90000048  }
0xb6: {  	_ =	sfence  }
0xb7: {  	s30 =	sld [smem:$0x0];
	_ =	sdelay $0x2  }
0xb8: {  	s31 =	sshll.u32 s1, $0xD;
	s1 =	sshrl.u32 s1, $0x2  }
0xb9: {  	s3 =	sand.u32 $0x4000, s31;
	s1 =	sadd.s32 s1, s30  }
0xba: {  	s0 =	sor.u32 s3, s0;
	s1 =	sshll.u32 s1, $0x11  }
0xbb: {  	s0 =	sor.u32 s1, s0  }
0xbc: {  	s0 =	sadd.s32 $0x8F2B, s0  }
0xbd: {  	[sflag:s0] =	ssyncadd.remote.s32 $0x1  }
0xbe: {  	_ =	sfence.sel $0xFFFF  }
0xbf: {  	[dreg:$0x0] =	wrdreg $0xFFFFFFFF;
	(pc) =	sbr.abs _section_cstart, $3  }
0xc0: {  	[dreg:$0x1] =	wrdreg $0xFFFFFFFF  }
0xc1: {  	_ =	task.clear_ibuf [dreg:s7], $0x2FFFF;
	_ =	strace $0x9FFFFFFF  }
0xc2: {  	(tm) =	ssettm $0x7FFFFFFF  }
0xc3: {  	_ =	shalt  }
tec
execute0_lowered:
.L_overlay_start_1:
0x0: {  	(tag) =	ssettag $0x1  }
0x1: {  	s2 =	rddreg [dreg:$0x0]  }
0x2: {  	s0 =	srdreg.scid;
	s8 =	rddreg [dreg:$0x1];
	s3 =	simm.s32 $0x0  }
0x3: {  	s12 =	simm.s32 $0x1;
	s13 =	simm.s32 $0x80;
	s7 =	sand.u32 $0x1, s0  }
0x4: {  	s14 =	simm.s32 $0x4180;
	s0 =	stileid.u32;
	s1 =	sshll.u32 s7, $0x4  }
0x5: {  	s15 =	simm.s32 $0x8180;
	s16 =	simm.s32 $0x12180;
	s4 =	sor.u32 s0, s1  }
0x6: {  	s17 =	simm.s32 $0x0;
	[smem:$0x7FF] =	sst s3;
	s9 =	smul.u32 $0x1400, s4  }
0x7: {  	s5 =	sadd.s32 $0x2800, s8;
	s6 =	sadd.s32 $0xC600, s8;
	s4 =	smul.u32 $0x140, s4  }
.Ltmp0:
0x8: {  	v3 =	vlaneseq.u32;
	s7 =	ssub.s32 $0x2, s7;
	s1 =	rddreg [dreg:$0x2];
	(pc) =	sbr.rel .LBB2_1-.Ltmp0, $4  }
0x9: {  	v2 =	vimm.f32 $0.0e+00;
	vm0 =	vcmask $0x300;
	v4 =	vor.u32 $0x10, v3;
	_ =	strace $0x80000047;
	s31 =	sshrl.u32 s7, $0x1;
	s10 =	sshrl.u32 s4, $0x3  }
0xa: {  	v5 =	vor.u32 $0x20, v3;
	v6 =	vor.u32 $0x30, v3;
	v7 =	vor.u32 $0x40, v3;
	s9 =	sadd.s32 s9, s8;
	s11 =	sadd.s32 $0x140, s4;
	s8 =	sadd.s32 s10, s8  }
0xb: {  	v8 =	vor.u32 $0x50, v3;
	v9 =	vor.u32 $0x60, v3;
	s10 =	ssub.s32 s7, s31;
	v1 =	vmov s11;
	s7 =	sadd.s32 $0x16A00, s9;
	s11 =	simm.s32 $0x1000  }
0xc: {  	v10 =	vor.u32 $0x70, v3;
	v11 =	vsel vm0, $0x3F800000, v2;
	v0 =	vmov s4;
	s8 =	sadd.s32 $0x16400, s8;
	s9 =	smax.u32 s10, $0x1;
	s10 =	simm.s32 $0x2  }
.LBB2_14:
0xd: {  	[hbm4b:s7+s3] =	stream.linear.scatter [tilespmem:s15], [sflag:$0x2], $0xA000, $0x38;
	[tilespmem:$0x12300] =	vst v63  }
0xe: {  	s17 =	sadd.s32 $0x1, s17;
	_ =	swait.ge [sflag:s10], $0xA000  }
0xf: {  	p0 =	sne.s32 s17, s9;
	[sflag:s10] =	ssyncset.done $0x0  }
.Ltmp1:
0x10: {  	[sflag:s10] =	ssyncadd.s32 $0xFFFF6000;
	(pc) =	sbr.rel @!p0 .LBB2_15-.Ltmp1, $4  }
0x11: {  	[hbm4b:s8+s3] =	stream.linear.scatter [tilespmem:s16], [sflag:$0x2], $0x140, $0x38;
	[tilespmem:$0x12300] =	vst v63  }
0x12: {  	_ =	swait.ge [sflag:s10], $0x140  }
0x13: {  	[sflag:s10] =	ssyncset.done $0x0  }
0x14: {  	[sflag:s10] =	ssyncadd.s32 $0xFFFFFEC0  }
.LBB2_1:
0x15: {  	s18 =	simm.s32 $0x0;
	s19 =	simm.s32 $0x200  }
.LBB2_2:
0x16: {  	p0 =	sne.s32 s19, $0x27E00;
	[tilespmem:s18+$0x81F0] =	vst v2  }
0x17: {  	[tilespmem:s18+$0x8180] =	vst v2  }
0x18: {  	[tilespmem:s18+$0x8190] =	vst v2  }
.Ltmp2:
0x19: {  	[tilespmem:s18+$0x81A0] =	vst v2;
	(pc) =	sbr.rel @p0 .LBB2_2-.Ltmp2, $4  }
0x1a: {  	[tilespmem:s18+$0x81B0] =	vst v2  }
0x1b: {  	[tilespmem:s18+$0x81C0] =	vst v2  }
0x1c: {  	[tilespmem:s18+$0x81D0] =	vst v2  }
0x1d: {  	[tilespmem:s18+$0x81E0] =	vst v2;
	s18 =	sshra.s32 s19, $0x2;
	s19 =	sadd.s32 $0x200, s19  }
0x1e: {  	[tilespmem:s18+$0x81F0] =	vst v2  }
0x1f: {  	[tilespmem:s18+$0x8180] =	vst v2  }
0x20: {  	[tilespmem:s18+$0x8190] =	vst v2  }
0x21: {  	[tilespmem:s18+$0x81A0] =	vst v2  }
0x22: {  	[tilespmem:s18+$0x81B0] =	vst v2  }
0x23: {  	[tilespmem:s18+$0x81C0] =	vst v2  }
0x24: {  	[tilespmem:s18+$0x81D0] =	vst v2  }
0x25: {  	[tilespmem:s18+$0x81E0] =	vst v2  }
0x26: {  	[tilespmem:$0x12180] =	vst v2  }
0x27: {  	[tilespmem:$0x12190] =	vst v2  }
0x28: {  	[tilespmem:$0x121A0] =	vst v2  }
0x29: {  	[tilespmem:$0x121B0] =	vst v2  }
0x2a: {  	[tilespmem:$0x121C0] =	vst v2  }
0x2b: {  	[tilespmem:$0x121D0] =	vst v2  }
0x2c: {  	[tilespmem:$0x121E0] =	vst v2  }
0x2d: {  	[tilespmem:$0x121F0] =	vst v2  }
0x2e: {  	[tilespmem:$0x12200] =	vst v2  }
0x2f: {  	[tilespmem:$0x12210] =	vst v2  }
0x30: {  	[tilespmem:$0x12220] =	vst v2  }
0x31: {  	[tilespmem:$0x12230] =	vst v2  }
0x32: {  	[tilespmem:$0x12240] =	vst v2  }
0x33: {  	[tilespmem:$0x12250] =	vst v2  }
0x34: {  	[tilespmem:$0x12260] =	vst v2  }
0x35: {  	[tilespmem:$0x12270] =	vst v2  }
.Ltmp3:
0x36: {  	[tilespmem:$0x12280] =	vst v2;
	(pc) =	sbr.rel .LBB2_4-.Ltmp3, $4  }
0x37: {  	[tilespmem:$0x12290] =	vst v2  }
0x38: {  	[tilespmem:$0x122A0] =	vst v2  }
0x39: {  	[tilespmem:$0x122B0] =	vst v2  }
0x3a: {  	s18 =	simm.s32 $0x0;
	s19 =	simm.s32 $0x0;
	[tilespmem:$0x122C0] =	vst v2  }
.LBB2_13:
0x3b: {  	s19 =	sadd.s32 $0x1, s19  }
0x3c: {  	p0 =	sne.s32 s19, $0x4F  }
.Ltmp4:
0x3d: {  	_ = 	snop;
	(pc) =	sbr.rel @!p0 .LBB2_14-.Ltmp4, $1  }
0x3e: {  	_ =	sdelay $0x3  }
.LBB2_4:
0x3f: {  	s20 =	sshll.u32 s19, $0x9  }
0x40: {  	s21 =	sadd.s32 s5, s20  }
0x41: {  	[tilespmem:s18], [sflag:$0x2] =	stream.linear.gather [hbm4b:s21+s18], $0x1000, $0x38;
	[tilespmem:$0x12300] =	vst v63  }
0x42: {  	_ =	swait.ge [sflag:s10], $0x1000  }
0x43: {  	[sflag:s10] =	ssyncset.done $0x0  }
0x44: {  	s20 =	sadd.s32 s6, s20;
	[sflag:s10] =	ssyncadd.s32 $0xFFFFF000  }
0x45: {  	[tilespmem:s11], [sflag:$0x2] =	stream.linear.gather [hbm4b:s20+s18], $0x1000, $0x38;
	[tilespmem:$0x12300] =	vst v63  }
0x46: {  	_ =	swait.ge [sflag:s10], $0x1000  }
0x47: {  	[sflag:s10] =	ssyncset.done $0x0  }
0x48: {  	s31 =	simm.s32 $0x0;
	[sflag:s10] =	ssyncadd.s32 $0xFFFFF000  }
0x49: {  	v12 =	vld [tilespmem:s31+$0x1000];
	_ =	sdelay $0x4  }
0x4a: {  	vm0 =	vge.s32 v12, v0;
	vm1 =	vlt.s32 v12, v1  }
0x4b: {  	vm0 =	vmand vm0, vm1  }
0x4c: {  	v14 =	vmpcnt.ones.xlane vm0;
	_ =	sdelay $0x1  }
0x4d: {  	(v2sf) =	vpush v14, $0x0  }
0x4e: {  	v13 =	vld [tilespmem:s31+$0x0];
	_ =	sdelay $0x3  }
0x4f: {  	[tilespmem:s18+$0x3080] =	vst.msk vm0, v12  }
0x50: {  	s22 =	simm.s32 $0x10;
	s21 =	simm.s32 $0x80;
	s20 =	simm.s32 $0x0;
	[tilespmem:s18+$0x2000] =	vst.msk vm0, v13  }
.LBB2_5:
0x51: {  	p0 =	sne.s32 s21, $0x3FC0;
	v12 =	vld [tilespmem:s22+$0x1000];
	_ =	sdelay $0x4  }
0x52: {  	vm0 =	vge.s32 v12, v0;
	vm1 =	vlt.s32 v12, v1  }
0x53: {  	v13 =	vld [tilespmem:s22+$0x0];
	vm0 =	vmand vm0, vm1  }
0x54: {  	v14 =	vmpcnt.ones.xlane vm0  }
0x55: {  	s22 =	spop (v2sf)  }
0x56: {  	(v2sf) =	vpush v14, $0x0;
	s20 =	sadd.s32 s20, s22  }
0x57: {  	[tilespmem:s20+$0x3080] =	vst.msk vm0, v12  }
.Ltmp5:
0x58: {  	[tilespmem:s20+$0x2000] =	vst.msk vm0, v13;
	(pc) =	sbr.rel @p0 .LBB2_5-.Ltmp5, $2  }
0x59: {  	_ =	sdelay $0x2  }
0x5a: {  	s22 =	sshra.s32 s21, $0x2;
	s21 =	sadd.s32 $0x40, s21  }
0x5b: {  	v12 =	vld [tilespmem:s22+$0x1000];
	_ =	sdelay $0x4  }
0x5c: {  	vm0 =	vge.s32 v12, v0;
	vm1 =	vlt.s32 v12, v1  }
0x5d: {  	vm0 =	vmand vm0, vm1  }
0x5e: {  	v13 =	vmpcnt.ones.xlane vm0;
	_ =	sdelay $0x1  }
0x5f: {  	(v2sf) =	vpush v13, $0x0;
	_ =	sdelay $0xd  }
0x60: {  	s21 =	spop (v2sf)  }
0x61: {  	s21 =	sadd.s32 s20, s21;
	s28 =	spop (v2sf)  }
0x62: {  	v63 =	vld [tilespmem:s22+$0x0];
	s20 =	sadd.s32 s21, s28  }
0x63: {  	s29 =	sadd.s32 $0x7F, s20  }
0x64: {  	s30 =	sand.u32 $0x7F, s29  }
0x65: {  	s31 =	sshra.s32 s29, $0x1F;
	p1 =	slt.s32 s29, $0x1;
	p0 =	sne.s32 s30, $0x0  }
0x66: {  	[tilespmem:s21+$0x3080] =	vst.msk vm0, v12;
	s22 =	sshrl.u32 s31, $0x19;
	p0 =	por !p1, !p0  }
0x67: {  	[tilespmem:s21+$0x2000] =	vst.msk vm0, v63;
	s21 =	sadd.s32 s22, s29;
	s22 =	simm.s32 $0x1;
	p0 =	por !p0, !p0  }
0x68: {  	[tilespmem:s20+$0x2000] =	vst v3;
	s21 =	sshra.s32 s21, $0x7;
	s22 =	simm.s32 @!p0 $0x0  }
0x69: {  	[tilespmem:s20+$0x2010] =	vst v4;
	s21 =	ssub.s32 s21, s22  }
0x6a: {  	[tilespmem:s20+$0x2020] =	vst v5;
	p0 =	slt.s32 s21, $0x1  }
.Ltmp6:
0x6b: {  	[tilespmem:s20+$0x2030] =	vst v6;
	(pc) =	sbr.rel @p0 .LBB2_13-.Ltmp6, $4  }
0x6c: {  	[tilespmem:s20+$0x2040] =	vst v7  }
0x6d: {  	[tilespmem:s20+$0x2050] =	vst v8  }
0x6e: {  	[tilespmem:s20+$0x2060] =	vst v9  }
0x6f: {  	[tilespmem:s20+$0x2070] =	vst v10  }
.Ltmp7:
0x70: {  	(pc) =	sbr.rel .LBB2_8-.Ltmp7, $2  }
0x71: {  	_ =	sdelay $0x2  }
0x72: {  	s22 =	simm.s32 $0x0;
	s23 =	simm.s32 $0x3080;
	s24 =	smov.u32 s20  }
.LBB2_11:
0x73: {  	[tilespmem:s26+$0x12180] =	vst v12  }
.LBB2_12:
0x74: {  	s22 =	sadd.s32 $0x1, s22  }
0x75: {  	p0 =	sne.s32 s22, s21  }
.Ltmp8:
0x76: {  	_ = 	snop;
	(pc) =	sbr.rel @!p0 .LBB2_13-.Ltmp8, $2  }
0x77: {  	_ =	sdelay $0x2  }
0x78: {  	s24 =	sadd.s32 $0xFFFFFF80, s24;
	s23 =	sadd.s32 $0x80, s23  }
.LBB2_8:
0x79: {  	s26 =	sshll.u32 s22, $0x7  }
0x7a: {  	s25 =	sshll.u32 s22, $0x9;
	s31 =	ssub.s32 s20, s26  }
0x7b: {  	s25 =	sshra.s32 s25, $0x2;
	p0 =	slt.s32 s31, $0x1  }
.Ltmp9:
0x7c: {  	s25 =	sadd.s32 $0x2000, s25;
	(pc) =	sbr.rel @p0 .LBB2_12-.Ltmp9, $4  }
0x7d: {  	[tilespmem:s14], [sflag:$0x1] =	stream.indirect.gather [hbm4b:s2+s13], $0x80, s25, s13, $0xb8;
	[tilespmem:$0x12300] =	vst v63  }
0x7e: {  	_ =	swait.ge [sflag:s12], $0x4000  }
0x7f: {  	[sflag:s12] =	ssyncset.done $0x0  }
0x80: {  	[sflag:s12] =	ssyncadd.s32 $0xFFFFC000  }
0x81: {  	v12 =	vld [tilespmem:s23+$0x0];
	_ =	sdelay $0x4  }
0x82: {  	(v2sf) =	vpush v12, $0x0;
	_ =	sdelay $0xe  }
0x83: {  	s25 =	spop (v2sf)  }
0x84: {  	s26 =	ssub.s32 s25, s4  }
0x85: {  	s25 =	simm.s32 $0x41C0;
	s28 =	sshll.u32 s26, $0x9  }
0x86: {  	v12 =	vld [tilespmem:s25+$0xFFFFFFC0];
	s28 =	sshra.s32 s28, $0x2  }
0x87: {  	v13 =	vld [tilespmem:s28+$0x8180];
	_ =	sdelay $0x4  }
0x88: {  	v12 =	vadd.f32 v12, v13;
	_ =	sdelay $0x1  }
0x89: {  	[tilespmem:s28+$0x8180] =	vst v12;
	v12 =	vld [tilespmem:s28+$0x8190]  }
0x8a: {  	v13 =	vld [tilespmem:s25+$0xFFFFFFD0];
	_ =	sdelay $0x4  }
0x8b: {  	v12 =	vadd.f32 v13, v12;
	_ =	sdelay $0x1  }
0x8c: {  	[tilespmem:s28+$0x8190] =	vst v12;
	v12 =	vld [tilespmem:s28+$0x81A0]  }
0x8d: {  	v13 =	vld [tilespmem:s25+$0xFFFFFFE0];
	_ =	sdelay $0x4  }
0x8e: {  	v12 =	vadd.f32 v13, v12;
	_ =	sdelay $0x1  }
0x8f: {  	[tilespmem:s28+$0x81A0] =	vst v12;
	v12 =	vld [tilespmem:s28+$0x81B0]  }
0x90: {  	v13 =	vld [tilespmem:s25+$0xFFFFFFF0];
	_ =	sdelay $0x4  }
0x91: {  	v12 =	vadd.f32 v13, v12;
	_ =	sdelay $0x1  }
0x92: {  	[tilespmem:s28+$0x81B0] =	vst v12;
	v12 =	vld [tilespmem:s28+$0x81C0]  }
0x93: {  	v13 =	vld [tilespmem:s25+$0x0];
	_ =	sdelay $0x4  }
0x94: {  	v12 =	vadd.f32 v13, v12;
	_ =	sdelay $0x1  }
0x95: {  	[tilespmem:s28+$0x81C0] =	vst v12;
	v12 =	vld [tilespmem:s28+$0x81D0]  }
0x96: {  	v13 =	vld [tilespmem:s25+$0x10];
	_ =	sdelay $0x4  }
0x97: {  	v12 =	vadd.f32 v13, v12;
	_ =	sdelay $0x1  }
0x98: {  	[tilespmem:s28+$0x81D0] =	vst v12;
	v12 =	vld [tilespmem:s28+$0x81E0]  }
0x99: {  	v13 =	vld [tilespmem:s25+$0x20];
	_ =	sdelay $0x4  }
0x9a: {  	v12 =	vadd.f32 v13, v12;
	_ =	sdelay $0x1  }
0x9b: {  	[tilespmem:s28+$0x81E0] =	vst v12;
	v12 =	vld [tilespmem:s28+$0x81F0]  }
0x9c: {  	v13 =	vld [tilespmem:s25+$0x30];
	_ =	sdelay $0x4  }
0x9d: {  	v12 =	vadd.f32 v13, v12;
	_ =	sdelay $0x1  }
0x9e: {  	p0 =	sgt.s32 s24, $0x1;
	[tilespmem:s28+$0x81F0] =	vst v12;
	s28 =	smov.u32 s24  }
0x9f: {  	s28 =	simm.s32 @!p0 $0x1  }
0xa0: {  	v12 =	vld [tilespmem:s26+$0x12180];
	s28 =	smin.u32 s28, $0x80  }
0xa1: {  	p0 =	sne.s32 s28, $0x1  }
.Ltmp10:
0xa2: {  	_ = 	snop;
	(pc) =	sbr.rel @!p0 .LBB2_11-.Ltmp10, $3  }
0xa3: {  	_ =	sdelay $0x1  }
0xa4: {  	v12 =	vadd.f32 v11, v12  }
0xa5: {  	s29 =	smov.u32 s23;
	s28 =	sadd.s32 $0xFFFFFFFF, s28  }
.LBB2_10:
0xa6: {  	p0 =	sne.s32 s28, $0x1;
	[tilespmem:s26+$0x12180] =	vst v12;
	s29 =	sadd.s32 $0x1, s29;
	s25 =	sadd.s32 $0x80, s25  }
0xa7: {  	s28 =	sadd.s32 $0xFFFFFFFF, s28;
	v12 =	vld [tilespmem:s29+$0x0];
	_ =	sdelay $0x4  }
0xa8: {  	(v2sf) =	vpush v12, $0x0;
	_ =	sdelay $0xe  }
0xa9: {  	s26 =	spop (v2sf)  }
0xaa: {  	s26 =	ssub.s32 s26, s4  }
0xab: {  	s30 =	sshll.u32 s26, $0x9  }
0xac: {  	s30 =	sshra.s32 s30, $0x2;
	v12 =	vld [tilespmem:s25+$0xFFFFFFC0]  }
0xad: {  	v13 =	vld [tilespmem:s30+$0x8180];
	_ =	sdelay $0x4  }
0xae: {  	v12 =	vadd.f32 v12, v13;
	_ =	sdelay $0x1  }
0xaf: {  	[tilespmem:s30+$0x8180] =	vst v12;
	v12 =	vld [tilespmem:s30+$0x8190]  }
0xb0: {  	v13 =	vld [tilespmem:s25+$0xFFFFFFD0];
	_ =	sdelay $0x4  }
0xb1: {  	v12 =	vadd.f32 v13, v12;
	_ =	sdelay $0x1  }
0xb2: {  	[tilespmem:s30+$0x8190] =	vst v12;
	v12 =	vld [tilespmem:s30+$0x81A0]  }
0xb3: {  	v13 =	vld [tilespmem:s25+$0xFFFFFFE0];
	_ =	sdelay $0x4  }
0xb4: {  	v12 =	vadd.f32 v13, v12;
	_ =	sdelay $0x1  }
0xb5: {  	[tilespmem:s30+$0x81A0] =	vst v12;
	v12 =	vld [tilespmem:s30+$0x81B0]  }
0xb6: {  	v13 =	vld [tilespmem:s25+$0xFFFFFFF0];
	_ =	sdelay $0x4  }
0xb7: {  	v12 =	vadd.f32 v13, v12;
	_ =	sdelay $0x1  }
0xb8: {  	[tilespmem:s30+$0x81B0] =	vst v12;
	v12 =	vld [tilespmem:s30+$0x81C0]  }
0xb9: {  	v13 =	vld [tilespmem:s25+$0x0];
	_ =	sdelay $0x4  }
0xba: {  	v12 =	vadd.f32 v13, v12;
	_ =	sdelay $0x1  }
0xbb: {  	[tilespmem:s30+$0x81C0] =	vst v12;
	v12 =	vld [tilespmem:s30+$0x81D0]  }
0xbc: {  	v13 =	vld [tilespmem:s25+$0x10];
	_ =	sdelay $0x4  }
0xbd: {  	v12 =	vadd.f32 v13, v12;
	_ =	sdelay $0x1  }
0xbe: {  	[tilespmem:s30+$0x81D0] =	vst v12;
	v12 =	vld [tilespmem:s30+$0x81E0]  }
0xbf: {  	v13 =	vld [tilespmem:s25+$0x20];
	_ =	sdelay $0x4  }
0xc0: {  	v12 =	vadd.f32 v13, v12;
	_ =	sdelay $0x1  }
0xc1: {  	[tilespmem:s30+$0x81E0] =	vst v12;
	v12 =	vld [tilespmem:s30+$0x81F0]  }
0xc2: {  	v13 =	vld [tilespmem:s25+$0x30];
	_ =	sdelay $0x4  }
0xc3: {  	v12 =	vadd.f32 v13, v12;
	_ =	sdelay $0x1  }
0xc4: {  	[tilespmem:s30+$0x81F0] =	vst v12  }
0xc5: {  	v12 =	vld [tilespmem:s26+$0x12180]  }
.Ltmp11:
0xc6: {  	(pc) =	sbr.rel @p0 .LBB2_10-.Ltmp11, $2  }
0xc7: {  	_ =	sdelay $0x2  }
0xc8: {  	v12 =	vadd.f32 v11, v12  }
.Ltmp12:
0xc9: {  	_ = 	snop;
	(pc) =	sbr.rel .LBB2_11-.Ltmp12, $1  }
0xca: {  	_ =	sdelay $0x3  }
.LBB2_15:
0xcb: {  	_ =	sfence.sel $0x180000  }
0xcc: {  	[bflag:$0x0] =	sbarrier.arrive $0xFFFF  }
0xcd: {  	p0 =	sne.s32 s0, $0x0;
	_ =	strace $0x90000047  }
0xce: {  	s0 =	sadd.s32 @!p0 $0x100000, s1;
	[bflag:$0x2] =	sbarrier.arrive $0xFFFF  }
0xcf: {  	[sflag:s0] =	ssyncadd.tile.s32 @!p0 $0x1;
	_ =	shalt  }
.Lfunc_end2:
_tile_overlayer_lowered:
.L_overlay_start_2:
0xd0: {  	(tag) =	ssettag $0x2  }
0xd1: {  	s0 =	rddreg [dreg:$0x0];
	s2 =	stileid.u32  }
0xd2: {  	s1 =	rddreg [dreg:$0x1];
	p0 =	sne.s32 s2, $0x0  }
0xd3: {  	s3 =	rddreg [dreg:$0x2];
	[bflag:$0x3] =	sbarrier.arrive $0xFFFF;
	s2 =	simm.s32 @!p0 $0x1C02  }
0xd4: {  	[timem:s3], [sflag:s2] =	dma.local @!p0 [hbm:s0], s1  }
0xd5: {  	s0 =	simm.s32 @!p0 $0x2  }
0xd6: {  	_ =	swait.ge @!p0 [sflag:s0], s1  }
0xd7: {  	s1 =	ssub.s32 @!p0 $0x0, s1;
	[sflag:s0] =	ssyncset.done @!p0 $0x0  }
0xd8: {  	[sflag:s0] =	ssyncadd.s32 @!p0 s1  }
0xd9: {  	[bflag:$0x3] =	sbarrier.arrive $0xFFFF  }
0xda: {  	_ =	shalt  }

</sc_bundles>
